<compile_context>
chip_gen: v7x
topology: tpu7x:2x2x1
jax: 0.10.2.dev20260603
libtpu: 0.0.44.dev20260713+nightly
codegen_flags: <defaults>
</compile_context>

<pallas_src>
import functools

import jax
import jax.numpy as jnp
from jax import lax
from jax.experimental import pallas as pl
from jax.experimental.pallas import tpu as pltpu
from jax.experimental.pallas import tpu_sc as plsc

_RING = 6
_CHUNK = 16


@functools.lru_cache(maxsize=None)
def _make_gather(n_workers, num_cores, n_chunks, chunk, d_model, ring):
    n_total = n_workers * n_chunks * chunk
    n_steady = n_chunks - ring
    head = n_steady % ring
    assert n_chunks > 2 * ring
    mesh = plsc.VectorSubcoreMesh(core_axis_name="c", subcore_axis_name="s")

    @functools.partial(
        pl.kernel,
        mesh=mesh,
        out_type=jax.ShapeDtypeStruct((n_total, d_model), jnp.float32),
        scratch_types=[
            pltpu.VMEM((n_chunks, chunk), jnp.int32),
            pltpu.VMEM((ring, chunk, d_model), jnp.float32),
        ]
        + [pltpu.SemaphoreType.DMA] * (2 * ring),
    )
    def gather_kernel(idx_hbm, table_hbm, out_hbm, idx_v, rows_v, *sems):
        gsems = sems[:ring]
        ssems = sems[ring:]
        wid = lax.axis_index("s") * num_cores + lax.axis_index("c")
        base = wid * (n_chunks * chunk)

        pltpu.sync_copy(idx_hbm.at[wid], idx_v)

        def start_gather(g, b):
            pltpu.async_copy(table_hbm.at[idx_v.at[g]], rows_v.at[b], gsems[b])

        def wait_gather(g, b):
            pltpu.make_async_copy(
                table_hbm.at[idx_v.at[g]], rows_v.at[b], gsems[b]
            ).wait()

        def start_scatter(g, b):
            pltpu.async_copy(
                rows_v.at[b], out_hbm.at[pl.ds(base + g * chunk, chunk)], ssems[b]
            )

        def wait_scatter(b):
            pltpu.make_async_copy(
                rows_v.at[b], out_hbm.at[pl.ds(base, chunk)], ssems[b]
            ).wait()

        def step(g, gather_next, wait_prev_scatter):
            b = g % ring if isinstance(g, int) else None
            wait_gather(g, b)
            start_scatter(g, b)
            if gather_next:
                b2 = (g - 1) % ring
                if wait_prev_scatter:
                    wait_scatter(b2)
                start_gather(g + ring - 1, b2)

        for b in range(ring - 1):
            start_gather(b, b)
        step(0, gather_next=True, wait_prev_scatter=False)
        for g in range(1, 1 + head):
            step(g, gather_next=True, wait_prev_scatter=True)

        g0 = 1 + head

        def body(i, carry):
            for j in range(ring):
                g = g0 + i * ring + j
                bj = (g0 + j) % ring
                wait_gather(g, bj)
                start_scatter(g, bj)
                b2 = (bj - 1) % ring
                wait_scatter(b2)
                start_gather(g + ring - 1, b2)
            return carry

        lax.fori_loop(0, (n_steady - head) // ring, body, 0)

        for g in range(n_chunks - ring + 1, n_chunks):
            wait_gather(g, g % ring)
            start_scatter(g, g % ring)
        for b in range(ring):
            wait_scatter(b)

    return gather_kernel


def kernel(x, pe):
    info = plsc.get_sparse_core_info()
    n_workers = info.num_cores * info.num_subcores
    n_total = x.shape[0] * x.shape[1]
    n_chunks = n_total // (n_workers * _CHUNK)
    idx = x.reshape(n_workers, n_chunks, _CHUNK).astype(jnp.int32)
    gather = _make_gather(
        n_workers, info.num_cores, n_chunks, _CHUNK, pe.shape[1], _RING
    )
    out = gather(idx, pe)
    return out.reshape(x.shape[0], x.shape[1], pe.shape[1])

# --- scband reference (transcript-rebuilt; emitter-appended) ---
"""Pipeline reference for scband-position-encode-75299366633606 (READ-ONLY COPY).

The authoritative reference and input builder live on the scoring server;
editing this copy changes nothing except your own understanding.
"""

import jax, jax.numpy as jnp
import numpy as np

MAX_SEQ_LEN = 8192
D_MODEL = 1024
BATCH = 4
SEQ = 8192


def _build_pe():
    # Faithful port of the torch sinusoidal table construction.
    i_seq = jnp.linspace(0.0, MAX_SEQ_LEN - 1, MAX_SEQ_LEN)
    j_seq = jnp.linspace(0.0, D_MODEL - 2, D_MODEL // 2)
    pos, two_i = jnp.meshgrid(i_seq, j_seq, indexing='ij')
    pe_2i = jnp.sin(pos / 10000.0 ** (two_i / D_MODEL))
    pe_2i_1 = jnp.cos(pos / 10000.0 ** (two_i / D_MODEL))
    pe = jnp.stack((pe_2i, pe_2i_1), 2).reshape(MAX_SEQ_LEN, D_MODEL)
    return pe.astype(jnp.float32)


def setup_inputs(seed: int = 0) -> dict:
    key = jax.random.key(seed)
    x = jax.random.randint(key, (BATCH, SEQ), 0, MAX_SEQ_LEN)
    pe = _build_pe()
    return {"x": x, "pe": pe}


def reference(x, pe):
    # nn.Embedding lookup == row gather from the positional table
    return jnp.take(pe, x, axis=0)

if __name__ == "__main__":
    import jax
    _d = setup_inputs()
    print(jax.jit(kernel)(*tuple(_d.values())))

</pallas_src>

<mosaic_0001>
#map = affine_map<(d0, d1) -> (0, 0, 0)>
#map1 = affine_map<(d0, d1) -> (0, 0)>
module attributes {stable_mosaic.version = 14 : i64} {
  func.func @gather_kernel(%arg0: i32, %arg1: i32, %arg2: memref<32x64x16xi32, #tpu.memory_space<hbm>>, %arg3: memref<8192x1024xf32, #tpu.memory_space<hbm>>, %arg4: memref<32768x1024xf32, #tpu.memory_space<hbm>>, %arg5: memref<64x16xi32, #tpu.memory_space<vmem>>, %arg6: memref<6x16x1024xf32, #tpu.memory_space<vmem>>, %arg7: memref<!tpu.dma_semaphore, #tpu.memory_space<semaphore_mem>>, %arg8: memref<!tpu.dma_semaphore, #tpu.memory_space<semaphore_mem>>, %arg9: memref<!tpu.dma_semaphore, #tpu.memory_space<semaphore_mem>>, %arg10: memref<!tpu.dma_semaphore, #tpu.memory_space<semaphore_mem>>, %arg11: memref<!tpu.dma_semaphore, #tpu.memory_space<semaphore_mem>>, %arg12: memref<!tpu.dma_semaphore, #tpu.memory_space<semaphore_mem>>, %arg13: memref<!tpu.dma_semaphore, #tpu.memory_space<semaphore_mem>>, %arg14: memref<!tpu.dma_semaphore, #tpu.memory_space<semaphore_mem>>, %arg15: memref<!tpu.dma_semaphore, #tpu.memory_space<semaphore_mem>>, %arg16: memref<!tpu.dma_semaphore, #tpu.memory_space<semaphore_mem>>, %arg17: memref<!tpu.dma_semaphore, #tpu.memory_space<semaphore_mem>>, %arg18: memref<!tpu.dma_semaphore, #tpu.memory_space<semaphore_mem>>) attributes {dimension_semantics = [#tpu.dimension_semantics<core_parallel>, #tpu.dimension_semantics<subcore_parallel>], iteration_bounds = array<i64: 2, 16>, scalar_prefetch = 0 : i64, scratch_operands = 14 : i64, tpu.core_type = #tpu.core_type<sc_vector_subcore>, window_params = [{transform_indices = #map}, {transform_indices = #map1}, {transform_indices = #map1}]} {
    %mul3A = arith.constant 2 : i32
    %mul3A_0 = arith.muli %arg1, %mul3A : i32
    %add3A = arith.addi %mul3A_0, %arg0 : i32
    %mul3A_1 = arith.constant 1024 : i32
    %mul3A_2 = arith.muli %add3A, %mul3A_1 : i32
    "tpu.region"() ({
      %run_scoped3A = tpu.sem_alloc : memref<!tpu.dma_semaphore, #tpu.memory_space<semaphore_mem>>
      %dma_start3A_526 = arith.constant 0 : i32
      %dma_start3A_527 = arith.constant 0 : i32
      %dma_start3A_528 = tpu.memref_slice %arg2[%add3A, %dma_start3A_526, %dma_start3A_527] : memref<32x64x16xi32, #tpu.memory_space<hbm>> -> memref<1x64x16xi32, #tpu.memory_space<hbm>>
      %dma_start3A_529 = tpu.memref_squeeze %dma_start3A_528 : memref<1x64x16xi32, #tpu.memory_space<hbm>> -> memref<64x16xi32, #tpu.memory_space<hbm>>
      %dma_start3A_530 = arith.constant 0 : i32
      %dma_start3A_531 = arith.constant 0 : i32
      %dma_start3A_532 = tpu.memref_slice %arg2[%add3A, %dma_start3A_530, %dma_start3A_531] : memref<32x64x16xi32, #tpu.memory_space<hbm>> -> memref<1x64x16xi32, #tpu.memory_space<hbm>>
      %dma_start3A_533 = tpu.memref_squeeze %dma_start3A_532 : memref<1x64x16xi32, #tpu.memory_space<hbm>> -> memref<64x16xi32, #tpu.memory_space<hbm>>
      tpu.enqueue_dma source(%dma_start3A_533 : memref<64x16xi32, #tpu.memory_space<hbm>>) target(%arg5 : memref<64x16xi32, #tpu.memory_space<vmem>>) target_semaphore(%run_scoped3A : memref<!tpu.dma_semaphore, #tpu.memory_space<semaphore_mem>>)
      %dma_wait3A_534 = arith.constant 0 : i32
      %dma_wait3A_535 = arith.constant 0 : i32
      %dma_wait3A_536 = tpu.memref_slice %arg2[%add3A, %dma_wait3A_534, %dma_wait3A_535] : memref<32x64x16xi32, #tpu.memory_space<hbm>> -> memref<1x64x16xi32, #tpu.memory_space<hbm>>
      %dma_wait3A_537 = tpu.memref_squeeze %dma_wait3A_536 : memref<1x64x16xi32, #tpu.memory_space<hbm>> -> memref<64x16xi32, #tpu.memory_space<hbm>>
      %dma_wait3A_538 = arith.constant 0 : i32
      %dma_wait3A_539 = arith.constant 0 : i32
      %dma_wait3A_540 = tpu.memref_slice %arg2[%add3A, %dma_wait3A_538, %dma_wait3A_539] : memref<32x64x16xi32, #tpu.memory_space<hbm>> -> memref<1x64x16xi32, #tpu.memory_space<hbm>>
      %dma_wait3A_541 = tpu.memref_squeeze %dma_wait3A_540 : memref<1x64x16xi32, #tpu.memory_space<hbm>> -> memref<64x16xi32, #tpu.memory_space<hbm>>
      tpu.wait_dma2 semaphore(%run_scoped3A : memref<!tpu.dma_semaphore, #tpu.memory_space<semaphore_mem>>) src(%dma_wait3A_541 : memref<64x16xi32, #tpu.memory_space<hbm>>) dst(%arg5 : memref<64x16xi32, #tpu.memory_space<vmem>>)
      tpu.yield
    }) : () -> ()
    %dma_start3A = arith.constant 0 : i32
    %dma_start3A_3 = arith.constant 0 : i32
    %dma_start3A_4 = arith.constant 0 : i32
    %dma_start3A_5 = arith.constant 0 : i32
    %dma_start3A_6 = tpu.memref_slice %arg6[%dma_start3A_3, %dma_start3A_4, %dma_start3A_5] : memref<6x16x1024xf32, #tpu.memory_space<vmem>> -> memref<1x16x1024xf32, #tpu.memory_space<vmem>>
    %dma_start3A_7 = tpu.memref_squeeze %dma_start3A_6 : memref<1x16x1024xf32, #tpu.memory_space<vmem>> -> memref<16x1024xf32, #tpu.memory_space<vmem>>
    %dma_start3A_8 = arith.constant 0 : i32
    %dma_start3A_9 = tpu.memref_slice %arg5[%dma_start3A, %dma_start3A_8] : memref<64x16xi32, #tpu.memory_space<vmem>> -> memref<1x16xi32, #tpu.memory_space<vmem>>
    %dma_start3A_10 = tpu.memref_squeeze %dma_start3A_9 : memref<1x16xi32, #tpu.memory_space<vmem>> -> memref<16xi32, #tpu.memory_space<vmem>>
    %dma_start3A_11 = arith.constant 0 : i32
    %dma_start3A_12 = arith.constant 0 : i32
    %dma_start3A_13 = tpu.memref_slice %arg3[%dma_start3A_11, %dma_start3A_12] : memref<8192x1024xf32, #tpu.memory_space<hbm>> -> memref<8192x1024xf32, #tpu.memory_space<hbm>>
    tpu.enqueue_indirect_dma source(%dma_start3A_13 : memref<8192x1024xf32, #tpu.memory_space<hbm>>) target(%dma_start3A_7 : memref<16x1024xf32, #tpu.memory_space<vmem>>) offsets(%dma_start3A_10 : memref<16xi32, #tpu.memory_space<vmem>>) semaphore(%arg7 : memref<!tpu.dma_semaphore, #tpu.memory_space<semaphore_mem>>)
    %dma_start3A_14 = arith.constant 1 : i32
    %dma_start3A_15 = arith.constant 1 : i32
    %dma_start3A_16 = arith.constant 0 : i32
    %dma_start3A_17 = arith.constant 0 : i32
    %dma_start3A_18 = tpu.memref_slice %arg6[%dma_start3A_15, %dma_start3A_16, %dma_start3A_17] : memref<6x16x1024xf32, #tpu.memory_space<vmem>> -> memref<1x16x1024xf32, #tpu.memory_space<vmem>>
    %dma_start3A_19 = tpu.memref_squeeze %dma_start3A_18 : memref<1x16x1024xf32, #tpu.memory_space<vmem>> -> memref<16x1024xf32, #tpu.memory_space<vmem>>
    %dma_start3A_20 = arith.constant 0 : i32
    %dma_start3A_21 = tpu.memref_slice %arg5[%dma_start3A_14, %dma_start3A_20] : memref<64x16xi32, #tpu.memory_space<vmem>> -> memref<1x16xi32, #tpu.memory_space<vmem>>
    %dma_start3A_22 = tpu.memref_squeeze %dma_start3A_21 : memref<1x16xi32, #tpu.memory_space<vmem>> -> memref<16xi32, #tpu.memory_space<vmem>>
    %dma_start3A_23 = arith.constant 0 : i32
    %dma_start3A_24 = arith.constant 0 : i32
    %dma_start3A_25 = tpu.memref_slice %arg3[%dma_start3A_23, %dma_start3A_24] : memref<8192x1024xf32, #tpu.memory_space<hbm>> -> memref<8192x1024xf32, #tpu.memory_space<hbm>>
    tpu.enqueue_indirect_dma source(%dma_start3A_25 : memref<8192x1024xf32, #tpu.memory_space<hbm>>) target(%dma_start3A_19 : memref<16x1024xf32, #tpu.memory_space<vmem>>) offsets(%dma_start3A_22 : memref<16xi32, #tpu.memory_space<vmem>>) semaphore(%arg8 : memref<!tpu.dma_semaphore, #tpu.memory_space<semaphore_mem>>)
    %dma_start3A_26 = arith.constant 2 : i32
    %dma_start3A_27 = arith.constant 2 : i32
    %dma_start3A_28 = arith.constant 0 : i32
    %dma_start3A_29 = arith.constant 0 : i32
    %dma_start3A_30 = tpu.memref_slice %arg6[%dma_start3A_27, %dma_start3A_28, %dma_start3A_29] : memref<6x16x1024xf32, #tpu.memory_space<vmem>> -> memref<1x16x1024xf32, #tpu.memory_space<vmem>>
    %dma_start3A_31 = tpu.memref_squeeze %dma_start3A_30 : memref<1x16x1024xf32, #tpu.memory_space<vmem>> -> memref<16x1024xf32, #tpu.memory_space<vmem>>
    %dma_start3A_32 = arith.constant 0 : i32
    %dma_start3A_33 = tpu.memref_slice %arg5[%dma_start3A_26, %dma_start3A_32] : memref<64x16xi32, #tpu.memory_space<vmem>> -> memref<1x16xi32, #tpu.memory_space<vmem>>
    %dma_start3A_34 = tpu.memref_squeeze %dma_start3A_33 : memref<1x16xi32, #tpu.memory_space<vmem>> -> memref<16xi32, #tpu.memory_space<vmem>>
    %dma_start3A_35 = arith.constant 0 : i32
    %dma_start3A_36 = arith.constant 0 : i32
    %dma_start3A_37 = tpu.memref_slice %arg3[%dma_start3A_35, %dma_start3A_36] : memref<8192x1024xf32, #tpu.memory_space<hbm>> -> memref<8192x1024xf32, #tpu.memory_space<hbm>>
    tpu.enqueue_indirect_dma source(%dma_start3A_37 : memref<8192x1024xf32, #tpu.memory_space<hbm>>) target(%dma_start3A_31 : memref<16x1024xf32, #tpu.memory_space<vmem>>) offsets(%dma_start3A_34 : memref<16xi32, #tpu.memory_space<vmem>>) semaphore(%arg9 : memref<!tpu.dma_semaphore, #tpu.memory_space<semaphore_mem>>)
    %dma_start3A_38 = arith.constant 3 : i32
    %dma_start3A_39 = arith.constant 3 : i32
    %dma_start3A_40 = arith.constant 0 : i32
    %dma_start3A_41 = arith.constant 0 : i32
    %dma_start3A_42 = tpu.memref_slice %arg6[%dma_start3A_39, %dma_start3A_40, %dma_start3A_41] : memref<6x16x1024xf32, #tpu.memory_space<vmem>> -> memref<1x16x1024xf32, #tpu.memory_space<vmem>>
    %dma_start3A_43 = tpu.memref_squeeze %dma_start3A_42 : memref<1x16x1024xf32, #tpu.memory_space<vmem>> -> memref<16x1024xf32, #tpu.memory_space<vmem>>
    %dma_start3A_44 = arith.constant 0 : i32
    %dma_start3A_45 = tpu.memref_slice %arg5[%dma_start3A_38, %dma_start3A_44] : memref<64x16xi32, #tpu.memory_space<vmem>> -> memref<1x16xi32, #tpu.memory_space<vmem>>
    %dma_start3A_46 = tpu.memref_squeeze %dma_start3A_45 : memref<1x16xi32, #tpu.memory_space<vmem>> -> memref<16xi32, #tpu.memory_space<vmem>>
    %dma_start3A_47 = arith.constant 0 : i32
    %dma_start3A_48 = arith.constant 0 : i32
    %dma_start3A_49 = tpu.memref_slice %arg3[%dma_start3A_47, %dma_start3A_48] : memref<8192x1024xf32, #tpu.memory_space<hbm>> -> memref<8192x1024xf32, #tpu.memory_space<hbm>>
    tpu.enqueue_indirect_dma source(%dma_start3A_49 : memref<8192x1024xf32, #tpu.memory_space<hbm>>) target(%dma_start3A_43 : memref<16x1024xf32, #tpu.memory_space<vmem>>) offsets(%dma_start3A_46 : memref<16xi32, #tpu.memory_space<vmem>>) semaphore(%arg10 : memref<!tpu.dma_semaphore, #tpu.memory_space<semaphore_mem>>)
    %dma_start3A_50 = arith.constant 4 : i32
    %dma_start3A_51 = arith.constant 4 : i32
    %dma_start3A_52 = arith.constant 0 : i32
    %dma_start3A_53 = arith.constant 0 : i32
    %dma_start3A_54 = tpu.memref_slice %arg6[%dma_start3A_51, %dma_start3A_52, %dma_start3A_53] : memref<6x16x1024xf32, #tpu.memory_space<vmem>> -> memref<1x16x1024xf32, #tpu.memory_space<vmem>>
    %dma_start3A_55 = tpu.memref_squeeze %dma_start3A_54 : memref<1x16x1024xf32, #tpu.memory_space<vmem>> -> memref<16x1024xf32, #tpu.memory_space<vmem>>
    %dma_start3A_56 = arith.constant 0 : i32
    %dma_start3A_57 = tpu.memref_slice %arg5[%dma_start3A_50, %dma_start3A_56] : memref<64x16xi32, #tpu.memory_space<vmem>> -> memref<1x16xi32, #tpu.memory_space<vmem>>
    %dma_start3A_58 = tpu.memref_squeeze %dma_start3A_57 : memref<1x16xi32, #tpu.memory_space<vmem>> -> memref<16xi32, #tpu.memory_space<vmem>>
    %dma_start3A_59 = arith.constant 0 : i32
    %dma_start3A_60 = arith.constant 0 : i32
    %dma_start3A_61 = tpu.memref_slice %arg3[%dma_start3A_59, %dma_start3A_60] : memref<8192x1024xf32, #tpu.memory_space<hbm>> -> memref<8192x1024xf32, #tpu.memory_space<hbm>>
    tpu.enqueue_indirect_dma source(%dma_start3A_61 : memref<8192x1024xf32, #tpu.memory_space<hbm>>) target(%dma_start3A_55 : memref<16x1024xf32, #tpu.memory_space<vmem>>) offsets(%dma_start3A_58 : memref<16xi32, #tpu.memory_space<vmem>>) semaphore(%arg11 : memref<!tpu.dma_semaphore, #tpu.memory_space<semaphore_mem>>)
    %dma_wait3A = arith.constant 0 : i32
    %dma_wait3A_62 = arith.constant 0 : i32
    %dma_wait3A_63 = arith.constant 0 : i32
    %dma_wait3A_64 = arith.constant 0 : i32
    %dma_wait3A_65 = tpu.memref_slice %arg6[%dma_wait3A_62, %dma_wait3A_63, %dma_wait3A_64] : memref<6x16x1024xf32, #tpu.memory_space<vmem>> -> memref<1x16x1024xf32, #tpu.memory_space<vmem>>
    %dma_wait3A_66 = tpu.memref_squeeze %dma_wait3A_65 : memref<1x16x1024xf32, #tpu.memory_space<vmem>> -> memref<16x1024xf32, #tpu.memory_space<vmem>>
    %dma_wait3A_67 = arith.constant 0 : i32
    %dma_wait3A_68 = tpu.memref_slice %arg5[%dma_wait3A, %dma_wait3A_67] : memref<64x16xi32, #tpu.memory_space<vmem>> -> memref<1x16xi32, #tpu.memory_space<vmem>>
    %dma_wait3A_69 = tpu.memref_squeeze %dma_wait3A_68 : memref<1x16xi32, #tpu.memory_space<vmem>> -> memref<16xi32, #tpu.memory_space<vmem>>
    %dma_wait3A_70 = arith.constant 0 : i32
    %dma_wait3A_71 = arith.constant 0 : i32
    %dma_wait3A_72 = tpu.memref_slice %arg3[%dma_wait3A_70, %dma_wait3A_71] : memref<8192x1024xf32, #tpu.memory_space<hbm>> -> memref<8192x1024xf32, #tpu.memory_space<hbm>>
    tpu.wait_indirect_dma semaphore(%arg7 : memref<!tpu.dma_semaphore, #tpu.memory_space<semaphore_mem>>) src(%dma_wait3A_72 : memref<8192x1024xf32, #tpu.memory_space<hbm>>) dst(%dma_wait3A_66 : memref<16x1024xf32, #tpu.memory_space<vmem>>)
    %add3A_73 = arith.constant 0 : i32
    %add3A_74 = arith.addi %mul3A_2, %add3A_73 : i32
    %dma_start3A_75 = arith.constant 0 : i32
    %dma_start3A_76 = arith.constant 0 : i32
    %dma_start3A_77 = arith.constant 0 : i32
    %dma_start3A_78 = tpu.memref_slice %arg6[%dma_start3A_75, %dma_start3A_76, %dma_start3A_77] : memref<6x16x1024xf32, #tpu.memory_space<vmem>> -> memref<1x16x1024xf32, #tpu.memory_space<vmem>>
    %dma_start3A_79 = tpu.memref_squeeze %dma_start3A_78 : memref<1x16x1024xf32, #tpu.memory_space<vmem>> -> memref<16x1024xf32, #tpu.memory_space<vmem>>
    %dma_start3A_80 = arith.constant 0 : i32
    %dma_start3A_81 = tpu.memref_slice %arg4[%add3A_74, %dma_start3A_80] : memref<32768x1024xf32, #tpu.memory_space<hbm>> -> memref<16x1024xf32, #tpu.memory_space<hbm>>
    %dma_start3A_82 = arith.constant 0 : i32
    %dma_start3A_83 = tpu.memref_slice %arg4[%add3A_74, %dma_start3A_82] : memref<32768x1024xf32, #tpu.memory_space<hbm>> -> memref<16x1024xf32, #tpu.memory_space<hbm>>
    %dma_start3A_84 = arith.constant 0 : i32
    %dma_start3A_85 = arith.constant 0 : i32
    %dma_start3A_86 = tpu.memref_slice %arg6[%dma_start3A_75, %dma_start3A_84, %dma_start3A_85] : memref<6x16x1024xf32, #tpu.memory_space<vmem>> -> memref<1x16x1024xf32, #tpu.memory_space<vmem>>
    %dma_start3A_87 = tpu.memref_squeeze %dma_start3A_86 : memref<1x16x1024xf32, #tpu.memory_space<vmem>> -> memref<16x1024xf32, #tpu.memory_space<vmem>>
    tpu.enqueue_dma source(%dma_start3A_87 : memref<16x1024xf32, #tpu.memory_space<vmem>>) target(%dma_start3A_83 : memref<16x1024xf32, #tpu.memory_space<hbm>>) target_semaphore(%arg13 : memref<!tpu.dma_semaphore, #tpu.memory_space<semaphore_mem>>)
    %dma_start3A_88 = arith.constant 5 : i32
    %dma_start3A_89 = arith.constant 5 : i32
    %dma_start3A_90 = arith.constant 0 : i32
    %dma_start3A_91 = arith.constant 0 : i32
    %dma_start3A_92 = tpu.memref_slice %arg6[%dma_start3A_89, %dma_start3A_90, %dma_start3A_91] : memref<6x16x1024xf32, #tpu.memory_space<vmem>> -> memref<1x16x1024xf32, #tpu.memory_space<vmem>>
    %dma_start3A_93 = tpu.memref_squeeze %dma_start3A_92 : memref<1x16x1024xf32, #tpu.memory_space<vmem>> -> memref<16x1024xf32, #tpu.memory_space<vmem>>
    %dma_start3A_94 = arith.constant 0 : i32
    %dma_start3A_95 = tpu.memref_slice %arg5[%dma_start3A_88, %dma_start3A_94] : memref<64x16xi32, #tpu.memory_space<vmem>> -> memref<1x16xi32, #tpu.memory_space<vmem>>
    %dma_start3A_96 = tpu.memref_squeeze %dma_start3A_95 : memref<1x16xi32, #tpu.memory_space<vmem>> -> memref<16xi32, #tpu.memory_space<vmem>>
    %dma_start3A_97 = arith.constant 0 : i32
    %dma_start3A_98 = arith.constant 0 : i32
    %dma_start3A_99 = tpu.memref_slice %arg3[%dma_start3A_97, %dma_start3A_98] : memref<8192x1024xf32, #tpu.memory_space<hbm>> -> memref<8192x1024xf32, #tpu.memory_space<hbm>>
    tpu.enqueue_indirect_dma source(%dma_start3A_99 : memref<8192x1024xf32, #tpu.memory_space<hbm>>) target(%dma_start3A_93 : memref<16x1024xf32, #tpu.memory_space<vmem>>) offsets(%dma_start3A_96 : memref<16xi32, #tpu.memory_space<vmem>>) semaphore(%arg12 : memref<!tpu.dma_semaphore, #tpu.memory_space<semaphore_mem>>)
    %dma_wait3A_100 = arith.constant 1 : i32
    %dma_wait3A_101 = arith.constant 1 : i32
    %dma_wait3A_102 = arith.constant 0 : i32
    %dma_wait3A_103 = arith.constant 0 : i32
    %dma_wait3A_104 = tpu.memref_slice %arg6[%dma_wait3A_101, %dma_wait3A_102, %dma_wait3A_103] : memref<6x16x1024xf32, #tpu.memory_space<vmem>> -> memref<1x16x1024xf32, #tpu.memory_space<vmem>>
    %dma_wait3A_105 = tpu.memref_squeeze %dma_wait3A_104 : memref<1x16x1024xf32, #tpu.memory_space<vmem>> -> memref<16x1024xf32, #tpu.memory_space<vmem>>
    %dma_wait3A_106 = arith.constant 0 : i32
    %dma_wait3A_107 = tpu.memref_slice %arg5[%dma_wait3A_100, %dma_wait3A_106] : memref<64x16xi32, #tpu.memory_space<vmem>> -> memref<1x16xi32, #tpu.memory_space<vmem>>
    %dma_wait3A_108 = tpu.memref_squeeze %dma_wait3A_107 : memref<1x16xi32, #tpu.memory_space<vmem>> -> memref<16xi32, #tpu.memory_space<vmem>>
    %dma_wait3A_109 = arith.constant 0 : i32
    %dma_wait3A_110 = arith.constant 0 : i32
    %dma_wait3A_111 = tpu.memref_slice %arg3[%dma_wait3A_109, %dma_wait3A_110] : memref<8192x1024xf32, #tpu.memory_space<hbm>> -> memref<8192x1024xf32, #tpu.memory_space<hbm>>
    tpu.wait_indirect_dma semaphore(%arg8 : memref<!tpu.dma_semaphore, #tpu.memory_space<semaphore_mem>>) src(%dma_wait3A_111 : memref<8192x1024xf32, #tpu.memory_space<hbm>>) dst(%dma_wait3A_105 : memref<16x1024xf32, #tpu.memory_space<vmem>>)
    %add3A_112 = arith.constant 16 : i32
    %add3A_113 = arith.addi %mul3A_2, %add3A_112 : i32
    %dma_start3A_114 = arith.constant 1 : i32
    %dma_start3A_115 = arith.constant 0 : i32
    %dma_start3A_116 = arith.constant 0 : i32
    %dma_start3A_117 = tpu.memref_slice %arg6[%dma_start3A_114, %dma_start3A_115, %dma_start3A_116] : memref<6x16x1024xf32, #tpu.memory_space<vmem>> -> memref<1x16x1024xf32, #tpu.memory_space<vmem>>
    %dma_start3A_118 = tpu.memref_squeeze %dma_start3A_117 : memref<1x16x1024xf32, #tpu.memory_space<vmem>> -> memref<16x1024xf32, #tpu.memory_space<vmem>>
    %dma_start3A_119 = arith.constant 0 : i32
    %dma_start3A_120 = tpu.memref_slice %arg4[%add3A_113, %dma_start3A_119] : memref<32768x1024xf32, #tpu.memory_space<hbm>> -> memref<16x1024xf32, #tpu.memory_space<hbm>>
    %dma_start3A_121 = arith.constant 0 : i32
    %dma_start3A_122 = tpu.memref_slice %arg4[%add3A_113, %dma_start3A_121] : memref<32768x1024xf32, #tpu.memory_space<hbm>> -> memref<16x1024xf32, #tpu.memory_space<hbm>>
    %dma_start3A_123 = arith.constant 0 : i32
    %dma_start3A_124 = arith.constant 0 : i32
    %dma_start3A_125 = tpu.memref_slice %arg6[%dma_start3A_114, %dma_start3A_123, %dma_start3A_124] : memref<6x16x1024xf32, #tpu.memory_space<vmem>> -> memref<1x16x1024xf32, #tpu.memory_space<vmem>>
    %dma_start3A_126 = tpu.memref_squeeze %dma_start3A_125 : memref<1x16x1024xf32, #tpu.memory_space<vmem>> -> memref<16x1024xf32, #tpu.memory_space<vmem>>
    tpu.enqueue_dma source(%dma_start3A_126 : memref<16x1024xf32, #tpu.memory_space<vmem>>) target(%dma_start3A_122 : memref<16x1024xf32, #tpu.memory_space<hbm>>) target_semaphore(%arg14 : memref<!tpu.dma_semaphore, #tpu.memory_space<semaphore_mem>>)
    %dma_wait3A_127 = arith.constant 0 : i32
    %dma_wait3A_128 = arith.constant 0 : i32
    %dma_wait3A_129 = arith.constant 0 : i32
    %dma_wait3A_130 = tpu.memref_slice %arg6[%dma_wait3A_127, %dma_wait3A_128, %dma_wait3A_129] : memref<6x16x1024xf32, #tpu.memory_space<vmem>> -> memref<1x16x1024xf32, #tpu.memory_space<vmem>>
    %dma_wait3A_131 = tpu.memref_squeeze %dma_wait3A_130 : memref<1x16x1024xf32, #tpu.memory_space<vmem>> -> memref<16x1024xf32, #tpu.memory_space<vmem>>
    %dma_wait3A_132 = arith.constant 0 : i32
    %dma_wait3A_133 = tpu.memref_slice %arg4[%mul3A_2, %dma_wait3A_132] : memref<32768x1024xf32, #tpu.memory_space<hbm>> -> memref<16x1024xf32, #tpu.memory_space<hbm>>
    %dma_wait3A_134 = arith.constant 0 : i32
    %dma_wait3A_135 = tpu.memref_slice %arg4[%mul3A_2, %dma_wait3A_134] : memref<32768x1024xf32, #tpu.memory_space<hbm>> -> memref<16x1024xf32, #tpu.memory_space<hbm>>
    %dma_wait3A_136 = arith.constant 0 : i32
    %dma_wait3A_137 = arith.constant 0 : i32
    %dma_wait3A_138 = tpu.memref_slice %arg6[%dma_wait3A_127, %dma_wait3A_136, %dma_wait3A_137] : memref<6x16x1024xf32, #tpu.memory_space<vmem>> -> memref<1x16x1024xf32, #tpu.memory_space<vmem>>
    %dma_wait3A_139 = tpu.memref_squeeze %dma_wait3A_138 : memref<1x16x1024xf32, #tpu.memory_space<vmem>> -> memref<16x1024xf32, #tpu.memory_space<vmem>>
    tpu.wait_dma2 semaphore(%arg13 : memref<!tpu.dma_semaphore, #tpu.memory_space<semaphore_mem>>) src(%dma_wait3A_139 : memref<16x1024xf32, #tpu.memory_space<vmem>>) dst(%dma_wait3A_135 : memref<16x1024xf32, #tpu.memory_space<hbm>>)
    %dma_start3A_140 = arith.constant 6 : i32
    %dma_start3A_141 = arith.constant 0 : i32
    %dma_start3A_142 = arith.constant 0 : i32
    %dma_start3A_143 = arith.constant 0 : i32
    %dma_start3A_144 = tpu.memref_slice %arg6[%dma_start3A_141, %dma_start3A_142, %dma_start3A_143] : memref<6x16x1024xf32, #tpu.memory_space<vmem>> -> memref<1x16x1024xf32, #tpu.memory_space<vmem>>
    %dma_start3A_145 = tpu.memref_squeeze %dma_start3A_144 : memref<1x16x1024xf32, #tpu.memory_space<vmem>> -> memref<16x1024xf32, #tpu.memory_space<vmem>>
    %dma_start3A_146 = arith.constant 0 : i32
    %dma_start3A_147 = tpu.memref_slice %arg5[%dma_start3A_140, %dma_start3A_146] : memref<64x16xi32, #tpu.memory_space<vmem>> -> memref<1x16xi32, #tpu.memory_space<vmem>>
    %dma_start3A_148 = tpu.memref_squeeze %dma_start3A_147 : memref<1x16xi32, #tpu.memory_space<vmem>> -> memref<16xi32, #tpu.memory_space<vmem>>
    %dma_start3A_149 = arith.constant 0 : i32
    %dma_start3A_150 = arith.constant 0 : i32
    %dma_start3A_151 = tpu.memref_slice %arg3[%dma_start3A_149, %dma_start3A_150] : memref<8192x1024xf32, #tpu.memory_space<hbm>> -> memref<8192x1024xf32, #tpu.memory_space<hbm>>
    tpu.enqueue_indirect_dma source(%dma_start3A_151 : memref<8192x1024xf32, #tpu.memory_space<hbm>>) target(%dma_start3A_145 : memref<16x1024xf32, #tpu.memory_space<vmem>>) offsets(%dma_start3A_148 : memref<16xi32, #tpu.memory_space<vmem>>) semaphore(%arg7 : memref<!tpu.dma_semaphore, #tpu.memory_space<semaphore_mem>>)
    %dma_wait3A_152 = arith.constant 2 : i32
    %dma_wait3A_153 = arith.constant 2 : i32
    %dma_wait3A_154 = arith.constant 0 : i32
    %dma_wait3A_155 = arith.constant 0 : i32
    %dma_wait3A_156 = tpu.memref_slice %arg6[%dma_wait3A_153, %dma_wait3A_154, %dma_wait3A_155] : memref<6x16x1024xf32, #tpu.memory_space<vmem>> -> memref<1x16x1024xf32, #tpu.memory_space<vmem>>
    %dma_wait3A_157 = tpu.memref_squeeze %dma_wait3A_156 : memref<1x16x1024xf32, #tpu.memory_space<vmem>> -> memref<16x1024xf32, #tpu.memory_space<vmem>>
    %dma_wait3A_158 = arith.constant 0 : i32
    %dma_wait3A_159 = tpu.memref_slice %arg5[%dma_wait3A_152, %dma_wait3A_158] : memref<64x16xi32, #tpu.memory_space<vmem>> -> memref<1x16xi32, #tpu.memory_space<vmem>>
    %dma_wait3A_160 = tpu.memref_squeeze %dma_wait3A_159 : memref<1x16xi32, #tpu.memory_space<vmem>> -> memref<16xi32, #tpu.memory_space<vmem>>
    %dma_wait3A_161 = arith.constant 0 : i32
    %dma_wait3A_162 = arith.constant 0 : i32
    %dma_wait3A_163 = tpu.memref_slice %arg3[%dma_wait3A_161, %dma_wait3A_162] : memref<8192x1024xf32, #tpu.memory_space<hbm>> -> memref<8192x1024xf32, #tpu.memory_space<hbm>>
    tpu.wait_indirect_dma semaphore(%arg9 : memref<!tpu.dma_semaphore, #tpu.memory_space<semaphore_mem>>) src(%dma_wait3A_163 : memref<8192x1024xf32, #tpu.memory_space<hbm>>) dst(%dma_wait3A_157 : memref<16x1024xf32, #tpu.memory_space<vmem>>)
    %add3A_164 = arith.constant 32 : i32
    %add3A_165 = arith.addi %mul3A_2, %add3A_164 : i32
    %dma_start3A_166 = arith.constant 2 : i32
    %dma_start3A_167 = arith.constant 0 : i32
    %dma_start3A_168 = arith.constant 0 : i32
    %dma_start3A_169 = tpu.memref_slice %arg6[%dma_start3A_166, %dma_start3A_167, %dma_start3A_168] : memref<6x16x1024xf32, #tpu.memory_space<vmem>> -> memref<1x16x1024xf32, #tpu.memory_space<vmem>>
    %dma_start3A_170 = tpu.memref_squeeze %dma_start3A_169 : memref<1x16x1024xf32, #tpu.memory_space<vmem>> -> memref<16x1024xf32, #tpu.memory_space<vmem>>
    %dma_start3A_171 = arith.constant 0 : i32
    %dma_start3A_172 = tpu.memref_slice %arg4[%add3A_165, %dma_start3A_171] : memref<32768x1024xf32, #tpu.memory_space<hbm>> -> memref<16x1024xf32, #tpu.memory_space<hbm>>
    %dma_start3A_173 = arith.constant 0 : i32
    %dma_start3A_174 = tpu.memref_slice %arg4[%add3A_165, %dma_start3A_173] : memref<32768x1024xf32, #tpu.memory_space<hbm>> -> memref<16x1024xf32, #tpu.memory_space<hbm>>
    %dma_start3A_175 = arith.constant 0 : i32
    %dma_start3A_176 = arith.constant 0 : i32
    %dma_start3A_177 = tpu.memref_slice %arg6[%dma_start3A_166, %dma_start3A_175, %dma_start3A_176] : memref<6x16x1024xf32, #tpu.memory_space<vmem>> -> memref<1x16x1024xf32, #tpu.memory_space<vmem>>
    %dma_start3A_178 = tpu.memref_squeeze %dma_start3A_177 : memref<1x16x1024xf32, #tpu.memory_space<vmem>> -> memref<16x1024xf32, #tpu.memory_space<vmem>>
    tpu.enqueue_dma source(%dma_start3A_178 : memref<16x1024xf32, #tpu.memory_space<vmem>>) target(%dma_start3A_174 : memref<16x1024xf32, #tpu.memory_space<hbm>>) target_semaphore(%arg15 : memref<!tpu.dma_semaphore, #tpu.memory_space<semaphore_mem>>)
    %dma_wait3A_179 = arith.constant 1 : i32
    %dma_wait3A_180 = arith.constant 0 : i32
    %dma_wait3A_181 = arith.constant 0 : i32
    %dma_wait3A_182 = tpu.memref_slice %arg6[%dma_wait3A_179, %dma_wait3A_180, %dma_wait3A_181] : memref<6x16x1024xf32, #tpu.memory_space<vmem>> -> memref<1x16x1024xf32, #tpu.memory_space<vmem>>
    %dma_wait3A_183 = tpu.memref_squeeze %dma_wait3A_182 : memref<1x16x1024xf32, #tpu.memory_space<vmem>> -> memref<16x1024xf32, #tpu.memory_space<vmem>>
    %dma_wait3A_184 = arith.constant 0 : i32
    %dma_wait3A_185 = tpu.memref_slice %arg4[%mul3A_2, %dma_wait3A_184] : memref<32768x1024xf32, #tpu.memory_space<hbm>> -> memref<16x1024xf32, #tpu.memory_space<hbm>>
    %dma_wait3A_186 = arith.constant 0 : i32
    %dma_wait3A_187 = tpu.memref_slice %arg4[%mul3A_2, %dma_wait3A_186] : memref<32768x1024xf32, #tpu.memory_space<hbm>> -> memref<16x1024xf32, #tpu.memory_space<hbm>>
    %dma_wait3A_188 = arith.constant 0 : i32
    %dma_wait3A_189 = arith.constant 0 : i32
    %dma_wait3A_190 = tpu.memref_slice %arg6[%dma_wait3A_179, %dma_wait3A_188, %dma_wait3A_189] : memref<6x16x1024xf32, #tpu.memory_space<vmem>> -> memref<1x16x1024xf32, #tpu.memory_space<vmem>>
    %dma_wait3A_191 = tpu.memref_squeeze %dma_wait3A_190 : memref<1x16x1024xf32, #tpu.memory_space<vmem>> -> memref<16x1024xf32, #tpu.memory_space<vmem>>
    tpu.wait_dma2 semaphore(%arg14 : memref<!tpu.dma_semaphore, #tpu.memory_space<semaphore_mem>>) src(%dma_wait3A_191 : memref<16x1024xf32, #tpu.memory_space<vmem>>) dst(%dma_wait3A_187 : memref<16x1024xf32, #tpu.memory_space<hbm>>)
    %dma_start3A_192 = arith.constant 7 : i32
    %dma_start3A_193 = arith.constant 1 : i32
    %dma_start3A_194 = arith.constant 0 : i32
    %dma_start3A_195 = arith.constant 0 : i32
    %dma_start3A_196 = tpu.memref_slice %arg6[%dma_start3A_193, %dma_start3A_194, %dma_start3A_195] : memref<6x16x1024xf32, #tpu.memory_space<vmem>> -> memref<1x16x1024xf32, #tpu.memory_space<vmem>>
    %dma_start3A_197 = tpu.memref_squeeze %dma_start3A_196 : memref<1x16x1024xf32, #tpu.memory_space<vmem>> -> memref<16x1024xf32, #tpu.memory_space<vmem>>
    %dma_start3A_198 = arith.constant 0 : i32
    %dma_start3A_199 = tpu.memref_slice %arg5[%dma_start3A_192, %dma_start3A_198] : memref<64x16xi32, #tpu.memory_space<vmem>> -> memref<1x16xi32, #tpu.memory_space<vmem>>
    %dma_start3A_200 = tpu.memref_squeeze %dma_start3A_199 : memref<1x16xi32, #tpu.memory_space<vmem>> -> memref<16xi32, #tpu.memory_space<vmem>>
    %dma_start3A_201 = arith.constant 0 : i32
    %dma_start3A_202 = arith.constant 0 : i32
    %dma_start3A_203 = tpu.memref_slice %arg3[%dma_start3A_201, %dma_start3A_202] : memref<8192x1024xf32, #tpu.memory_space<hbm>> -> memref<8192x1024xf32, #tpu.memory_space<hbm>>
    tpu.enqueue_indirect_dma source(%dma_start3A_203 : memref<8192x1024xf32, #tpu.memory_space<hbm>>) target(%dma_start3A_197 : memref<16x1024xf32, #tpu.memory_space<vmem>>) offsets(%dma_start3A_200 : memref<16xi32, #tpu.memory_space<vmem>>) semaphore(%arg8 : memref<!tpu.dma_semaphore, #tpu.memory_space<semaphore_mem>>)
    %dma_wait3A_204 = arith.constant 3 : i32
    %dma_wait3A_205 = arith.constant 3 : i32
    %dma_wait3A_206 = arith.constant 0 : i32
    %dma_wait3A_207 = arith.constant 0 : i32
    %dma_wait3A_208 = tpu.memref_slice %arg6[%dma_wait3A_205, %dma_wait3A_206, %dma_wait3A_207] : memref<6x16x1024xf32, #tpu.memory_space<vmem>> -> memref<1x16x1024xf32, #tpu.memory_space<vmem>>
    %dma_wait3A_209 = tpu.memref_squeeze %dma_wait3A_208 : memref<1x16x1024xf32, #tpu.memory_space<vmem>> -> memref<16x1024xf32, #tpu.memory_space<vmem>>
    %dma_wait3A_210 = arith.constant 0 : i32
    %dma_wait3A_211 = tpu.memref_slice %arg5[%dma_wait3A_204, %dma_wait3A_210] : memref<64x16xi32, #tpu.memory_space<vmem>> -> memref<1x16xi32, #tpu.memory_space<vmem>>
    %dma_wait3A_212 = tpu.memref_squeeze %dma_wait3A_211 : memref<1x16xi32, #tpu.memory_space<vmem>> -> memref<16xi32, #tpu.memory_space<vmem>>
    %dma_wait3A_213 = arith.constant 0 : i32
    %dma_wait3A_214 = arith.constant 0 : i32
    %dma_wait3A_215 = tpu.memref_slice %arg3[%dma_wait3A_213, %dma_wait3A_214] : memref<8192x1024xf32, #tpu.memory_space<hbm>> -> memref<8192x1024xf32, #tpu.memory_space<hbm>>
    tpu.wait_indirect_dma semaphore(%arg10 : memref<!tpu.dma_semaphore, #tpu.memory_space<semaphore_mem>>) src(%dma_wait3A_215 : memref<8192x1024xf32, #tpu.memory_space<hbm>>) dst(%dma_wait3A_209 : memref<16x1024xf32, #tpu.memory_space<vmem>>)
    %add3A_216 = arith.constant 48 : i32
    %add3A_217 = arith.addi %mul3A_2, %add3A_216 : i32
    %dma_start3A_218 = arith.constant 3 : i32
    %dma_start3A_219 = arith.constant 0 : i32
    %dma_start3A_220 = arith.constant 0 : i32
    %dma_start3A_221 = tpu.memref_slice %arg6[%dma_start3A_218, %dma_start3A_219, %dma_start3A_220] : memref<6x16x1024xf32, #tpu.memory_space<vmem>> -> memref<1x16x1024xf32, #tpu.memory_space<vmem>>
    %dma_start3A_222 = tpu.memref_squeeze %dma_start3A_221 : memref<1x16x1024xf32, #tpu.memory_space<vmem>> -> memref<16x1024xf32, #tpu.memory_space<vmem>>
    %dma_start3A_223 = arith.constant 0 : i32
    %dma_start3A_224 = tpu.memref_slice %arg4[%add3A_217, %dma_start3A_223] : memref<32768x1024xf32, #tpu.memory_space<hbm>> -> memref<16x1024xf32, #tpu.memory_space<hbm>>
    %dma_start3A_225 = arith.constant 0 : i32
    %dma_start3A_226 = tpu.memref_slice %arg4[%add3A_217, %dma_start3A_225] : memref<32768x1024xf32, #tpu.memory_space<hbm>> -> memref<16x1024xf32, #tpu.memory_space<hbm>>
    %dma_start3A_227 = arith.constant 0 : i32
    %dma_start3A_228 = arith.constant 0 : i32
    %dma_start3A_229 = tpu.memref_slice %arg6[%dma_start3A_218, %dma_start3A_227, %dma_start3A_228] : memref<6x16x1024xf32, #tpu.memory_space<vmem>> -> memref<1x16x1024xf32, #tpu.memory_space<vmem>>
    %dma_start3A_230 = tpu.memref_squeeze %dma_start3A_229 : memref<1x16x1024xf32, #tpu.memory_space<vmem>> -> memref<16x1024xf32, #tpu.memory_space<vmem>>
    tpu.enqueue_dma source(%dma_start3A_230 : memref<16x1024xf32, #tpu.memory_space<vmem>>) target(%dma_start3A_226 : memref<16x1024xf32, #tpu.memory_space<hbm>>) target_semaphore(%arg16 : memref<!tpu.dma_semaphore, #tpu.memory_space<semaphore_mem>>)
    %dma_wait3A_231 = arith.constant 2 : i32
    %dma_wait3A_232 = arith.constant 0 : i32
    %dma_wait3A_233 = arith.constant 0 : i32
    %dma_wait3A_234 = tpu.memref_slice %arg6[%dma_wait3A_231, %dma_wait3A_232, %dma_wait3A_233] : memref<6x16x1024xf32, #tpu.memory_space<vmem>> -> memref<1x16x1024xf32, #tpu.memory_space<vmem>>
    %dma_wait3A_235 = tpu.memref_squeeze %dma_wait3A_234 : memref<1x16x1024xf32, #tpu.memory_space<vmem>> -> memref<16x1024xf32, #tpu.memory_space<vmem>>
    %dma_wait3A_236 = arith.constant 0 : i32
    %dma_wait3A_237 = tpu.memref_slice %arg4[%mul3A_2, %dma_wait3A_236] : memref<32768x1024xf32, #tpu.memory_space<hbm>> -> memref<16x1024xf32, #tpu.memory_space<hbm>>
    %dma_wait3A_238 = arith.constant 0 : i32
    %dma_wait3A_239 = tpu.memref_slice %arg4[%mul3A_2, %dma_wait3A_238] : memref<32768x1024xf32, #tpu.memory_space<hbm>> -> memref<16x1024xf32, #tpu.memory_space<hbm>>
    %dma_wait3A_240 = arith.constant 0 : i32
    %dma_wait3A_241 = arith.constant 0 : i32
    %dma_wait3A_242 = tpu.memref_slice %arg6[%dma_wait3A_231, %dma_wait3A_240, %dma_wait3A_241] : memref<6x16x1024xf32, #tpu.memory_space<vmem>> -> memref<1x16x1024xf32, #tpu.memory_space<vmem>>
    %dma_wait3A_243 = tpu.memref_squeeze %dma_wait3A_242 : memref<1x16x1024xf32, #tpu.memory_space<vmem>> -> memref<16x1024xf32, #tpu.memory_space<vmem>>
    tpu.wait_dma2 semaphore(%arg15 : memref<!tpu.dma_semaphore, #tpu.memory_space<semaphore_mem>>) src(%dma_wait3A_243 : memref<16x1024xf32, #tpu.memory_space<vmem>>) dst(%dma_wait3A_239 : memref<16x1024xf32, #tpu.memory_space<hbm>>)
    %dma_start3A_244 = arith.constant 8 : i32
    %dma_start3A_245 = arith.constant 2 : i32
    %dma_start3A_246 = arith.constant 0 : i32
    %dma_start3A_247 = arith.constant 0 : i32
    %dma_start3A_248 = tpu.memref_slice %arg6[%dma_start3A_245, %dma_start3A_246, %dma_start3A_247] : memref<6x16x1024xf32, #tpu.memory_space<vmem>> -> memref<1x16x1024xf32, #tpu.memory_space<vmem>>
    %dma_start3A_249 = tpu.memref_squeeze %dma_start3A_248 : memref<1x16x1024xf32, #tpu.memory_space<vmem>> -> memref<16x1024xf32, #tpu.memory_space<vmem>>
    %dma_start3A_250 = arith.constant 0 : i32
    %dma_start3A_251 = tpu.memref_slice %arg5[%dma_start3A_244, %dma_start3A_250] : memref<64x16xi32, #tpu.memory_space<vmem>> -> memref<1x16xi32, #tpu.memory_space<vmem>>
    %dma_start3A_252 = tpu.memref_squeeze %dma_start3A_251 : memref<1x16xi32, #tpu.memory_space<vmem>> -> memref<16xi32, #tpu.memory_space<vmem>>
    %dma_start3A_253 = arith.constant 0 : i32
    %dma_start3A_254 = arith.constant 0 : i32
    %dma_start3A_255 = tpu.memref_slice %arg3[%dma_start3A_253, %dma_start3A_254] : memref<8192x1024xf32, #tpu.memory_space<hbm>> -> memref<8192x1024xf32, #tpu.memory_space<hbm>>
    tpu.enqueue_indirect_dma source(%dma_start3A_255 : memref<8192x1024xf32, #tpu.memory_space<hbm>>) target(%dma_start3A_249 : memref<16x1024xf32, #tpu.memory_space<vmem>>) offsets(%dma_start3A_252 : memref<16xi32, #tpu.memory_space<vmem>>) semaphore(%arg9 : memref<!tpu.dma_semaphore, #tpu.memory_space<semaphore_mem>>)
    %dma_wait3A_256 = arith.constant 4 : i32
    %dma_wait3A_257 = arith.constant 4 : i32
    %dma_wait3A_258 = arith.constant 0 : i32
    %dma_wait3A_259 = arith.constant 0 : i32
    %dma_wait3A_260 = tpu.memref_slice %arg6[%dma_wait3A_257, %dma_wait3A_258, %dma_wait3A_259] : memref<6x16x1024xf32, #tpu.memory_space<vmem>> -> memref<1x16x1024xf32, #tpu.memory_space<vmem>>
    %dma_wait3A_261 = tpu.memref_squeeze %dma_wait3A_260 : memref<1x16x1024xf32, #tpu.memory_space<vmem>> -> memref<16x1024xf32, #tpu.memory_space<vmem>>
    %dma_wait3A_262 = arith.constant 0 : i32
    %dma_wait3A_263 = tpu.memref_slice %arg5[%dma_wait3A_256, %dma_wait3A_262] : memref<64x16xi32, #tpu.memory_space<vmem>> -> memref<1x16xi32, #tpu.memory_space<vmem>>
    %dma_wait3A_264 = tpu.memref_squeeze %dma_wait3A_263 : memref<1x16xi32, #tpu.memory_space<vmem>> -> memref<16xi32, #tpu.memory_space<vmem>>
    %dma_wait3A_265 = arith.constant 0 : i32
    %dma_wait3A_266 = arith.constant 0 : i32
    %dma_wait3A_267 = tpu.memref_slice %arg3[%dma_wait3A_265, %dma_wait3A_266] : memref<8192x1024xf32, #tpu.memory_space<hbm>> -> memref<8192x1024xf32, #tpu.memory_space<hbm>>
    tpu.wait_indirect_dma semaphore(%arg11 : memref<!tpu.dma_semaphore, #tpu.memory_space<semaphore_mem>>) src(%dma_wait3A_267 : memref<8192x1024xf32, #tpu.memory_space<hbm>>) dst(%dma_wait3A_261 : memref<16x1024xf32, #tpu.memory_space<vmem>>)
    %add3A_268 = arith.constant 64 : i32
    %add3A_269 = arith.addi %mul3A_2, %add3A_268 : i32
    %dma_start3A_270 = arith.constant 4 : i32
    %dma_start3A_271 = arith.constant 0 : i32
    %dma_start3A_272 = arith.constant 0 : i32
    %dma_start3A_273 = tpu.memref_slice %arg6[%dma_start3A_270, %dma_start3A_271, %dma_start3A_272] : memref<6x16x1024xf32, #tpu.memory_space<vmem>> -> memref<1x16x1024xf32, #tpu.memory_space<vmem>>
    %dma_start3A_274 = tpu.memref_squeeze %dma_start3A_273 : memref<1x16x1024xf32, #tpu.memory_space<vmem>> -> memref<16x1024xf32, #tpu.memory_space<vmem>>
    %dma_start3A_275 = arith.constant 0 : i32
    %dma_start3A_276 = tpu.memref_slice %arg4[%add3A_269, %dma_start3A_275] : memref<32768x1024xf32, #tpu.memory_space<hbm>> -> memref<16x1024xf32, #tpu.memory_space<hbm>>
    %dma_start3A_277 = arith.constant 0 : i32
    %dma_start3A_278 = tpu.memref_slice %arg4[%add3A_269, %dma_start3A_277] : memref<32768x1024xf32, #tpu.memory_space<hbm>> -> memref<16x1024xf32, #tpu.memory_space<hbm>>
    %dma_start3A_279 = arith.constant 0 : i32
    %dma_start3A_280 = arith.constant 0 : i32
    %dma_start3A_281 = tpu.memref_slice %arg6[%dma_start3A_270, %dma_start3A_279, %dma_start3A_280] : memref<6x16x1024xf32, #tpu.memory_space<vmem>> -> memref<1x16x1024xf32, #tpu.memory_space<vmem>>
    %dma_start3A_282 = tpu.memref_squeeze %dma_start3A_281 : memref<1x16x1024xf32, #tpu.memory_space<vmem>> -> memref<16x1024xf32, #tpu.memory_space<vmem>>
    tpu.enqueue_dma source(%dma_start3A_282 : memref<16x1024xf32, #tpu.memory_space<vmem>>) target(%dma_start3A_278 : memref<16x1024xf32, #tpu.memory_space<hbm>>) target_semaphore(%arg17 : memref<!tpu.dma_semaphore, #tpu.memory_space<semaphore_mem>>)
    %dma_wait3A_283 = arith.constant 3 : i32
    %dma_wait3A_284 = arith.constant 0 : i32
    %dma_wait3A_285 = arith.constant 0 : i32
    %dma_wait3A_286 = tpu.memref_slice %arg6[%dma_wait3A_283, %dma_wait3A_284, %dma_wait3A_285] : memref<6x16x1024xf32, #tpu.memory_space<vmem>> -> memref<1x16x1024xf32, #tpu.memory_space<vmem>>
    %dma_wait3A_287 = tpu.memref_squeeze %dma_wait3A_286 : memref<1x16x1024xf32, #tpu.memory_space<vmem>> -> memref<16x1024xf32, #tpu.memory_space<vmem>>
    %dma_wait3A_288 = arith.constant 0 : i32
    %dma_wait3A_289 = tpu.memref_slice %arg4[%mul3A_2, %dma_wait3A_288] : memref<32768x1024xf32, #tpu.memory_space<hbm>> -> memref<16x1024xf32, #tpu.memory_space<hbm>>
    %dma_wait3A_290 = arith.constant 0 : i32
    %dma_wait3A_291 = tpu.memref_slice %arg4[%mul3A_2, %dma_wait3A_290] : memref<32768x1024xf32, #tpu.memory_space<hbm>> -> memref<16x1024xf32, #tpu.memory_space<hbm>>
    %dma_wait3A_292 = arith.constant 0 : i32
    %dma_wait3A_293 = arith.constant 0 : i32
    %dma_wait3A_294 = tpu.memref_slice %arg6[%dma_wait3A_283, %dma_wait3A_292, %dma_wait3A_293] : memref<6x16x1024xf32, #tpu.memory_space<vmem>> -> memref<1x16x1024xf32, #tpu.memory_space<vmem>>
    %dma_wait3A_295 = tpu.memref_squeeze %dma_wait3A_294 : memref<1x16x1024xf32, #tpu.memory_space<vmem>> -> memref<16x1024xf32, #tpu.memory_space<vmem>>
    tpu.wait_dma2 semaphore(%arg16 : memref<!tpu.dma_semaphore, #tpu.memory_space<semaphore_mem>>) src(%dma_wait3A_295 : memref<16x1024xf32, #tpu.memory_space<vmem>>) dst(%dma_wait3A_291 : memref<16x1024xf32, #tpu.memory_space<hbm>>)
    %dma_start3A_296 = arith.constant 9 : i32
    %dma_start3A_297 = arith.constant 3 : i32
    %dma_start3A_298 = arith.constant 0 : i32
    %dma_start3A_299 = arith.constant 0 : i32
    %dma_start3A_300 = tpu.memref_slice %arg6[%dma_start3A_297, %dma_start3A_298, %dma_start3A_299] : memref<6x16x1024xf32, #tpu.memory_space<vmem>> -> memref<1x16x1024xf32, #tpu.memory_space<vmem>>
    %dma_start3A_301 = tpu.memref_squeeze %dma_start3A_300 : memref<1x16x1024xf32, #tpu.memory_space<vmem>> -> memref<16x1024xf32, #tpu.memory_space<vmem>>
    %dma_start3A_302 = arith.constant 0 : i32
    %dma_start3A_303 = tpu.memref_slice %arg5[%dma_start3A_296, %dma_start3A_302] : memref<64x16xi32, #tpu.memory_space<vmem>> -> memref<1x16xi32, #tpu.memory_space<vmem>>
    %dma_start3A_304 = tpu.memref_squeeze %dma_start3A_303 : memref<1x16xi32, #tpu.memory_space<vmem>> -> memref<16xi32, #tpu.memory_space<vmem>>
    %dma_start3A_305 = arith.constant 0 : i32
    %dma_start3A_306 = arith.constant 0 : i32
    %dma_start3A_307 = tpu.memref_slice %arg3[%dma_start3A_305, %dma_start3A_306] : memref<8192x1024xf32, #tpu.memory_space<hbm>> -> memref<8192x1024xf32, #tpu.memory_space<hbm>>
    tpu.enqueue_indirect_dma source(%dma_start3A_307 : memref<8192x1024xf32, #tpu.memory_space<hbm>>) target(%dma_start3A_301 : memref<16x1024xf32, #tpu.memory_space<vmem>>) offsets(%dma_start3A_304 : memref<16xi32, #tpu.memory_space<vmem>>) semaphore(%arg10 : memref<!tpu.dma_semaphore, #tpu.memory_space<semaphore_mem>>)
    %scan3A = arith.constant 0 : i32
    %scan3A_308 = arith.constant 0 : i32
    %scan3A_309 = arith.constant 9 : i32
    %scan3A_310 = arith.addi %scan3A_308, %scan3A_309 : i32
    %scan3A_311 = arith.constant 1 : i32
    scf.for %scan3A_526 = %scan3A_308 to %scan3A_310 step %scan3A_311  : i32 {
      %mul3A_527 = arith.constant 6 : i32
      %mul3A_528 = arith.muli %scan3A_526, %mul3A_527 : i32
      %add3A_529 = arith.constant 5 : i32
      %add3A_530 = arith.addi %add3A_529, %mul3A_528 : i32
      %add3A_531 = arith.constant 0 : i32
      %add3A_532 = arith.addi %add3A_530, %add3A_531 : i32
      %dma_wait3A_533 = arith.constant 5 : i32
      %dma_wait3A_534 = arith.constant 0 : i32
      %dma_wait3A_535 = arith.constant 0 : i32
      %dma_wait3A_536 = tpu.memref_slice %arg6[%dma_wait3A_533, %dma_wait3A_534, %dma_wait3A_535] : memref<6x16x1024xf32, #tpu.memory_space<vmem>> -> memref<1x16x1024xf32, #tpu.memory_space<vmem>>
      %dma_wait3A_537 = tpu.memref_squeeze %dma_wait3A_536 : memref<1x16x1024xf32, #tpu.memory_space<vmem>> -> memref<16x1024xf32, #tpu.memory_space<vmem>>
      %dma_wait3A_538 = arith.constant 0 : i32
      %dma_wait3A_539 = tpu.memref_slice %arg5[%add3A_532, %dma_wait3A_538] : memref<64x16xi32, #tpu.memory_space<vmem>> -> memref<1x16xi32, #tpu.memory_space<vmem>>
      %dma_wait3A_540 = tpu.memref_squeeze %dma_wait3A_539 : memref<1x16xi32, #tpu.memory_space<vmem>> -> memref<16xi32, #tpu.memory_space<vmem>>
      %dma_wait3A_541 = arith.constant 0 : i32
      %dma_wait3A_542 = arith.constant 0 : i32
      %dma_wait3A_543 = tpu.memref_slice %arg3[%dma_wait3A_541, %dma_wait3A_542] : memref<8192x1024xf32, #tpu.memory_space<hbm>> -> memref<8192x1024xf32, #tpu.memory_space<hbm>>
      tpu.wait_indirect_dma semaphore(%arg12 : memref<!tpu.dma_semaphore, #tpu.memory_space<semaphore_mem>>) src(%dma_wait3A_543 : memref<8192x1024xf32, #tpu.memory_space<hbm>>) dst(%dma_wait3A_537 : memref<16x1024xf32, #tpu.memory_space<vmem>>)
      %mul3A_544 = arith.constant 16 : i32
      %mul3A_545 = arith.muli %add3A_532, %mul3A_544 : i32
      %add3A_546 = arith.addi %mul3A_2, %mul3A_545 : i32
      %dma_start3A_547 = arith.constant 5 : i32
      %dma_start3A_548 = arith.constant 0 : i32
      %dma_start3A_549 = arith.constant 0 : i32
      %dma_start3A_550 = tpu.memref_slice %arg6[%dma_start3A_547, %dma_start3A_548, %dma_start3A_549] : memref<6x16x1024xf32, #tpu.memory_space<vmem>> -> memref<1x16x1024xf32, #tpu.memory_space<vmem>>
      %dma_start3A_551 = tpu.memref_squeeze %dma_start3A_550 : memref<1x16x1024xf32, #tpu.memory_space<vmem>> -> memref<16x1024xf32, #tpu.memory_space<vmem>>
      %dma_start3A_552 = arith.constant 0 : i32
      %dma_start3A_553 = tpu.memref_slice %arg4[%add3A_546, %dma_start3A_552] : memref<32768x1024xf32, #tpu.memory_space<hbm>> -> memref<16x1024xf32, #tpu.memory_space<hbm>>
      %dma_start3A_554 = arith.constant 0 : i32
      %dma_start3A_555 = tpu.memref_slice %arg4[%add3A_546, %dma_start3A_554] : memref<32768x1024xf32, #tpu.memory_space<hbm>> -> memref<16x1024xf32, #tpu.memory_space<hbm>>
      %dma_start3A_556 = arith.constant 0 : i32
      %dma_start3A_557 = arith.constant 0 : i32
      %dma_start3A_558 = tpu.memref_slice %arg6[%dma_start3A_547, %dma_start3A_556, %dma_start3A_557] : memref<6x16x1024xf32, #tpu.memory_space<vmem>> -> memref<1x16x1024xf32, #tpu.memory_space<vmem>>
      %dma_start3A_559 = tpu.memref_squeeze %dma_start3A_558 : memref<1x16x1024xf32, #tpu.memory_space<vmem>> -> memref<16x1024xf32, #tpu.memory_space<vmem>>
      tpu.enqueue_dma source(%dma_start3A_559 : memref<16x1024xf32, #tpu.memory_space<vmem>>) target(%dma_start3A_555 : memref<16x1024xf32, #tpu.memory_space<hbm>>) target_semaphore(%arg18 : memref<!tpu.dma_semaphore, #tpu.memory_space<semaphore_mem>>)
      %dma_wait3A_560 = arith.constant 4 : i32
      %dma_wait3A_561 = arith.constant 0 : i32
      %dma_wait3A_562 = arith.constant 0 : i32
      %dma_wait3A_563 = tpu.memref_slice %arg6[%dma_wait3A_560, %dma_wait3A_561, %dma_wait3A_562] : memref<6x16x1024xf32, #tpu.memory_space<vmem>> -> memref<1x16x1024xf32, #tpu.memory_space<vmem>>
      %dma_wait3A_564 = tpu.memref_squeeze %dma_wait3A_563 : memref<1x16x1024xf32, #tpu.memory_space<vmem>> -> memref<16x1024xf32, #tpu.memory_space<vmem>>
      %dma_wait3A_565 = arith.constant 0 : i32
      %dma_wait3A_566 = tpu.memref_slice %arg4[%mul3A_2, %dma_wait3A_565] : memref<32768x1024xf32, #tpu.memory_space<hbm>> -> memref<16x1024xf32, #tpu.memory_space<hbm>>
      %dma_wait3A_567 = arith.constant 0 : i32
      %dma_wait3A_568 = tpu.memref_slice %arg4[%mul3A_2, %dma_wait3A_567] : memref<32768x1024xf32, #tpu.memory_space<hbm>> -> memref<16x1024xf32, #tpu.memory_space<hbm>>
      %dma_wait3A_569 = arith.constant 0 : i32
      %dma_wait3A_570 = arith.constant 0 : i32
      %dma_wait3A_571 = tpu.memref_slice %arg6[%dma_wait3A_560, %dma_wait3A_569, %dma_wait3A_570] : memref<6x16x1024xf32, #tpu.memory_space<vmem>> -> memref<1x16x1024xf32, #tpu.memory_space<vmem>>
      %dma_wait3A_572 = tpu.memref_squeeze %dma_wait3A_571 : memref<1x16x1024xf32, #tpu.memory_space<vmem>> -> memref<16x1024xf32, #tpu.memory_space<vmem>>
      tpu.wait_dma2 semaphore(%arg17 : memref<!tpu.dma_semaphore, #tpu.memory_space<semaphore_mem>>) src(%dma_wait3A_572 : memref<16x1024xf32, #tpu.memory_space<vmem>>) dst(%dma_wait3A_568 : memref<16x1024xf32, #tpu.memory_space<hbm>>)
      %add3A_573 = arith.constant 6 : i32
      %add3A_574 = arith.addi %add3A_532, %add3A_573 : i32
      %sub3A = arith.constant 1 : i32
      %sub3A_575 = arith.subi %add3A_574, %sub3A : i32
      %dma_start3A_576 = arith.constant 4 : i32
      %dma_start3A_577 = arith.constant 0 : i32
      %dma_start3A_578 = arith.constant 0 : i32
      %dma_start3A_579 = tpu.memref_slice %arg6[%dma_start3A_576, %dma_start3A_577, %dma_start3A_578] : memref<6x16x1024xf32, #tpu.memory_space<vmem>> -> memref<1x16x1024xf32, #tpu.memory_space<vmem>>
      %dma_start3A_580 = tpu.memref_squeeze %dma_start3A_579 : memref<1x16x1024xf32, #tpu.memory_space<vmem>> -> memref<16x1024xf32, #tpu.memory_space<vmem>>
      %dma_start3A_581 = arith.constant 0 : i32
      %dma_start3A_582 = tpu.memref_slice %arg5[%sub3A_575, %dma_start3A_581] : memref<64x16xi32, #tpu.memory_space<vmem>> -> memref<1x16xi32, #tpu.memory_space<vmem>>
      %dma_start3A_583 = tpu.memref_squeeze %dma_start3A_582 : memref<1x16xi32, #tpu.memory_space<vmem>> -> memref<16xi32, #tpu.memory_space<vmem>>
      %dma_start3A_584 = arith.constant 0 : i32
      %dma_start3A_585 = arith.constant 0 : i32
      %dma_start3A_586 = tpu.memref_slice %arg3[%dma_start3A_584, %dma_start3A_585] : memref<8192x1024xf32, #tpu.memory_space<hbm>> -> memref<8192x1024xf32, #tpu.memory_space<hbm>>
      tpu.enqueue_indirect_dma source(%dma_start3A_586 : memref<8192x1024xf32, #tpu.memory_space<hbm>>) target(%dma_start3A_580 : memref<16x1024xf32, #tpu.memory_space<vmem>>) offsets(%dma_start3A_583 : memref<16xi32, #tpu.memory_space<vmem>>) semaphore(%arg11 : memref<!tpu.dma_semaphore, #tpu.memory_space<semaphore_mem>>)
      %mul3A_587 = arith.constant 6 : i32
      %mul3A_588 = arith.muli %scan3A_526, %mul3A_587 : i32
      %add3A_589 = arith.constant 5 : i32
      %add3A_590 = arith.addi %add3A_589, %mul3A_588 : i32
      %add3A_591 = arith.constant 1 : i32
      %add3A_592 = arith.addi %add3A_590, %add3A_591 : i32
      %dma_wait3A_593 = arith.constant 0 : i32
      %dma_wait3A_594 = arith.constant 0 : i32
      %dma_wait3A_595 = arith.constant 0 : i32
      %dma_wait3A_596 = tpu.memref_slice %arg6[%dma_wait3A_593, %dma_wait3A_594, %dma_wait3A_595] : memref<6x16x1024xf32, #tpu.memory_space<vmem>> -> memref<1x16x1024xf32, #tpu.memory_space<vmem>>
      %dma_wait3A_597 = tpu.memref_squeeze %dma_wait3A_596 : memref<1x16x1024xf32, #tpu.memory_space<vmem>> -> memref<16x1024xf32, #tpu.memory_space<vmem>>
      %dma_wait3A_598 = arith.constant 0 : i32
      %dma_wait3A_599 = tpu.memref_slice %arg5[%add3A_592, %dma_wait3A_598] : memref<64x16xi32, #tpu.memory_space<vmem>> -> memref<1x16xi32, #tpu.memory_space<vmem>>
      %dma_wait3A_600 = tpu.memref_squeeze %dma_wait3A_599 : memref<1x16xi32, #tpu.memory_space<vmem>> -> memref<16xi32, #tpu.memory_space<vmem>>
      %dma_wait3A_601 = arith.constant 0 : i32
      %dma_wait3A_602 = arith.constant 0 : i32
      %dma_wait3A_603 = tpu.memref_slice %arg3[%dma_wait3A_601, %dma_wait3A_602] : memref<8192x1024xf32, #tpu.memory_space<hbm>> -> memref<8192x1024xf32, #tpu.memory_space<hbm>>
      tpu.wait_indirect_dma semaphore(%arg7 : memref<!tpu.dma_semaphore, #tpu.memory_space<semaphore_mem>>) src(%dma_wait3A_603 : memref<8192x1024xf32, #tpu.memory_space<hbm>>) dst(%dma_wait3A_597 : memref<16x1024xf32, #tpu.memory_space<vmem>>)
      %mul3A_604 = arith.constant 16 : i32
      %mul3A_605 = arith.muli %add3A_592, %mul3A_604 : i32
      %add3A_606 = arith.addi %mul3A_2, %mul3A_605 : i32
      %dma_start3A_607 = arith.constant 0 : i32
      %dma_start3A_608 = arith.constant 0 : i32
      %dma_start3A_609 = arith.constant 0 : i32
      %dma_start3A_610 = tpu.memref_slice %arg6[%dma_start3A_607, %dma_start3A_608, %dma_start3A_609] : memref<6x16x1024xf32, #tpu.memory_space<vmem>> -> memref<1x16x1024xf32, #tpu.memory_space<vmem>>
      %dma_start3A_611 = tpu.memref_squeeze %dma_start3A_610 : memref<1x16x1024xf32, #tpu.memory_space<vmem>> -> memref<16x1024xf32, #tpu.memory_space<vmem>>
      %dma_start3A_612 = arith.constant 0 : i32
      %dma_start3A_613 = tpu.memref_slice %arg4[%add3A_606, %dma_start3A_612] : memref<32768x1024xf32, #tpu.memory_space<hbm>> -> memref<16x1024xf32, #tpu.memory_space<hbm>>
      %dma_start3A_614 = arith.constant 0 : i32
      %dma_start3A_615 = tpu.memref_slice %arg4[%add3A_606, %dma_start3A_614] : memref<32768x1024xf32, #tpu.memory_space<hbm>> -> memref<16x1024xf32, #tpu.memory_space<hbm>>
      %dma_start3A_616 = arith.constant 0 : i32
      %dma_start3A_617 = arith.constant 0 : i32
      %dma_start3A_618 = tpu.memref_slice %arg6[%dma_start3A_607, %dma_start3A_616, %dma_start3A_617] : memref<6x16x1024xf32, #tpu.memory_space<vmem>> -> memref<1x16x1024xf32, #tpu.memory_space<vmem>>
      %dma_start3A_619 = tpu.memref_squeeze %dma_start3A_618 : memref<1x16x1024xf32, #tpu.memory_space<vmem>> -> memref<16x1024xf32, #tpu.memory_space<vmem>>
      tpu.enqueue_dma source(%dma_start3A_619 : memref<16x1024xf32, #tpu.memory_space<vmem>>) target(%dma_start3A_615 : memref<16x1024xf32, #tpu.memory_space<hbm>>) target_semaphore(%arg13 : memref<!tpu.dma_semaphore, #tpu.memory_space<semaphore_mem>>)
      %dma_wait3A_620 = arith.constant 5 : i32
      %dma_wait3A_621 = arith.constant 0 : i32
      %dma_wait3A_622 = arith.constant 0 : i32
      %dma_wait3A_623 = tpu.memref_slice %arg6[%dma_wait3A_620, %dma_wait3A_621, %dma_wait3A_622] : memref<6x16x1024xf32, #tpu.memory_space<vmem>> -> memref<1x16x1024xf32, #tpu.memory_space<vmem>>
      %dma_wait3A_624 = tpu.memref_squeeze %dma_wait3A_623 : memref<1x16x1024xf32, #tpu.memory_space<vmem>> -> memref<16x1024xf32, #tpu.memory_space<vmem>>
      %dma_wait3A_625 = arith.constant 0 : i32
      %dma_wait3A_626 = tpu.memref_slice %arg4[%mul3A_2, %dma_wait3A_625] : memref<32768x1024xf32, #tpu.memory_space<hbm>> -> memref<16x1024xf32, #tpu.memory_space<hbm>>
      %dma_wait3A_627 = arith.constant 0 : i32
      %dma_wait3A_628 = tpu.memref_slice %arg4[%mul3A_2, %dma_wait3A_627] : memref<32768x1024xf32, #tpu.memory_space<hbm>> -> memref<16x1024xf32, #tpu.memory_space<hbm>>
      %dma_wait3A_629 = arith.constant 0 : i32
      %dma_wait3A_630 = arith.constant 0 : i32
      %dma_wait3A_631 = tpu.memref_slice %arg6[%dma_wait3A_620, %dma_wait3A_629, %dma_wait3A_630] : memref<6x16x1024xf32, #tpu.memory_space<vmem>> -> memref<1x16x1024xf32, #tpu.memory_space<vmem>>
      %dma_wait3A_632 = tpu.memref_squeeze %dma_wait3A_631 : memref<1x16x1024xf32, #tpu.memory_space<vmem>> -> memref<16x1024xf32, #tpu.memory_space<vmem>>
      tpu.wait_dma2 semaphore(%arg18 : memref<!tpu.dma_semaphore, #tpu.memory_space<semaphore_mem>>) src(%dma_wait3A_632 : memref<16x1024xf32, #tpu.memory_space<vmem>>) dst(%dma_wait3A_628 : memref<16x1024xf32, #tpu.memory_space<hbm>>)
      %add3A_633 = arith.constant 6 : i32
      %add3A_634 = arith.addi %add3A_592, %add3A_633 : i32
      %sub3A_635 = arith.constant 1 : i32
      %sub3A_636 = arith.subi %add3A_634, %sub3A_635 : i32
      %dma_start3A_637 = arith.constant 5 : i32
      %dma_start3A_638 = arith.constant 0 : i32
      %dma_start3A_639 = arith.constant 0 : i32
      %dma_start3A_640 = tpu.memref_slice %arg6[%dma_start3A_637, %dma_start3A_638, %dma_start3A_639] : memref<6x16x1024xf32, #tpu.memory_space<vmem>> -> memref<1x16x1024xf32, #tpu.memory_space<vmem>>
      %dma_start3A_641 = tpu.memref_squeeze %dma_start3A_640 : memref<1x16x1024xf32, #tpu.memory_space<vmem>> -> memref<16x1024xf32, #tpu.memory_space<vmem>>
      %dma_start3A_642 = arith.constant 0 : i32
      %dma_start3A_643 = tpu.memref_slice %arg5[%sub3A_636, %dma_start3A_642] : memref<64x16xi32, #tpu.memory_space<vmem>> -> memref<1x16xi32, #tpu.memory_space<vmem>>
      %dma_start3A_644 = tpu.memref_squeeze %dma_start3A_643 : memref<1x16xi32, #tpu.memory_space<vmem>> -> memref<16xi32, #tpu.memory_space<vmem>>
      %dma_start3A_645 = arith.constant 0 : i32
      %dma_start3A_646 = arith.constant 0 : i32
      %dma_start3A_647 = tpu.memref_slice %arg3[%dma_start3A_645, %dma_start3A_646] : memref<8192x1024xf32, #tpu.memory_space<hbm>> -> memref<8192x1024xf32, #tpu.memory_space<hbm>>
      tpu.enqueue_indirect_dma source(%dma_start3A_647 : memref<8192x1024xf32, #tpu.memory_space<hbm>>) target(%dma_start3A_641 : memref<16x1024xf32, #tpu.memory_space<vmem>>) offsets(%dma_start3A_644 : memref<16xi32, #tpu.memory_space<vmem>>) semaphore(%arg12 : memref<!tpu.dma_semaphore, #tpu.memory_space<semaphore_mem>>)
      %mul3A_648 = arith.constant 6 : i32
      %mul3A_649 = arith.muli %scan3A_526, %mul3A_648 : i32
      %add3A_650 = arith.constant 5 : i32
      %add3A_651 = arith.addi %add3A_650, %mul3A_649 : i32
      %add3A_652 = arith.constant 2 : i32
      %add3A_653 = arith.addi %add3A_651, %add3A_652 : i32
      %dma_wait3A_654 = arith.constant 1 : i32
      %dma_wait3A_655 = arith.constant 0 : i32
      %dma_wait3A_656 = arith.constant 0 : i32
      %dma_wait3A_657 = tpu.memref_slice %arg6[%dma_wait3A_654, %dma_wait3A_655, %dma_wait3A_656] : memref<6x16x1024xf32, #tpu.memory_space<vmem>> -> memref<1x16x1024xf32, #tpu.memory_space<vmem>>
      %dma_wait3A_658 = tpu.memref_squeeze %dma_wait3A_657 : memref<1x16x1024xf32, #tpu.memory_space<vmem>> -> memref<16x1024xf32, #tpu.memory_space<vmem>>
      %dma_wait3A_659 = arith.constant 0 : i32
      %dma_wait3A_660 = tpu.memref_slice %arg5[%add3A_653, %dma_wait3A_659] : memref<64x16xi32, #tpu.memory_space<vmem>> -> memref<1x16xi32, #tpu.memory_space<vmem>>
      %dma_wait3A_661 = tpu.memref_squeeze %dma_wait3A_660 : memref<1x16xi32, #tpu.memory_space<vmem>> -> memref<16xi32, #tpu.memory_space<vmem>>
      %dma_wait3A_662 = arith.constant 0 : i32
      %dma_wait3A_663 = arith.constant 0 : i32
      %dma_wait3A_664 = tpu.memref_slice %arg3[%dma_wait3A_662, %dma_wait3A_663] : memref<8192x1024xf32, #tpu.memory_space<hbm>> -> memref<8192x1024xf32, #tpu.memory_space<hbm>>
      tpu.wait_indirect_dma semaphore(%arg8 : memref<!tpu.dma_semaphore, #tpu.memory_space<semaphore_mem>>) src(%dma_wait3A_664 : memref<8192x1024xf32, #tpu.memory_space<hbm>>) dst(%dma_wait3A_658 : memref<16x1024xf32, #tpu.memory_space<vmem>>)
      %mul3A_665 = arith.constant 16 : i32
      %mul3A_666 = arith.muli %add3A_653, %mul3A_665 : i32
      %add3A_667 = arith.addi %mul3A_2, %mul3A_666 : i32
      %dma_start3A_668 = arith.constant 1 : i32
      %dma_start3A_669 = arith.constant 0 : i32
      %dma_start3A_670 = arith.constant 0 : i32
      %dma_start3A_671 = tpu.memref_slice %arg6[%dma_start3A_668, %dma_start3A_669, %dma_start3A_670] : memref<6x16x1024xf32, #tpu.memory_space<vmem>> -> memref<1x16x1024xf32, #tpu.memory_space<vmem>>
      %dma_start3A_672 = tpu.memref_squeeze %dma_start3A_671 : memref<1x16x1024xf32, #tpu.memory_space<vmem>> -> memref<16x1024xf32, #tpu.memory_space<vmem>>
      %dma_start3A_673 = arith.constant 0 : i32
      %dma_start3A_674 = tpu.memref_slice %arg4[%add3A_667, %dma_start3A_673] : memref<32768x1024xf32, #tpu.memory_space<hbm>> -> memref<16x1024xf32, #tpu.memory_space<hbm>>
      %dma_start3A_675 = arith.constant 0 : i32
      %dma_start3A_676 = tpu.memref_slice %arg4[%add3A_667, %dma_start3A_675] : memref<32768x1024xf32, #tpu.memory_space<hbm>> -> memref<16x1024xf32, #tpu.memory_space<hbm>>
      %dma_start3A_677 = arith.constant 0 : i32
      %dma_start3A_678 = arith.constant 0 : i32
      %dma_start3A_679 = tpu.memref_slice %arg6[%dma_start3A_668, %dma_start3A_677, %dma_start3A_678] : memref<6x16x1024xf32, #tpu.memory_space<vmem>> -> memref<1x16x1024xf32, #tpu.memory_space<vmem>>
      %dma_start3A_680 = tpu.memref_squeeze %dma_start3A_679 : memref<1x16x1024xf32, #tpu.memory_space<vmem>> -> memref<16x1024xf32, #tpu.memory_space<vmem>>
      tpu.enqueue_dma source(%dma_start3A_680 : memref<16x1024xf32, #tpu.memory_space<vmem>>) target(%dma_start3A_676 : memref<16x1024xf32, #tpu.memory_space<hbm>>) target_semaphore(%arg14 : memref<!tpu.dma_semaphore, #tpu.memory_space<semaphore_mem>>)
      %dma_wait3A_681 = arith.constant 0 : i32
      %dma_wait3A_682 = arith.constant 0 : i32
      %dma_wait3A_683 = arith.constant 0 : i32
      %dma_wait3A_684 = tpu.memref_slice %arg6[%dma_wait3A_681, %dma_wait3A_682, %dma_wait3A_683] : memref<6x16x1024xf32, #tpu.memory_space<vmem>> -> memref<1x16x1024xf32, #tpu.memory_space<vmem>>
      %dma_wait3A_685 = tpu.memref_squeeze %dma_wait3A_684 : memref<1x16x1024xf32, #tpu.memory_space<vmem>> -> memref<16x1024xf32, #tpu.memory_space<vmem>>
      %dma_wait3A_686 = arith.constant 0 : i32
      %dma_wait3A_687 = tpu.memref_slice %arg4[%mul3A_2, %dma_wait3A_686] : memref<32768x1024xf32, #tpu.memory_space<hbm>> -> memref<16x1024xf32, #tpu.memory_space<hbm>>
      %dma_wait3A_688 = arith.constant 0 : i32
      %dma_wait3A_689 = tpu.memref_slice %arg4[%mul3A_2, %dma_wait3A_688] : memref<32768x1024xf32, #tpu.memory_space<hbm>> -> memref<16x1024xf32, #tpu.memory_space<hbm>>
      %dma_wait3A_690 = arith.constant 0 : i32
      %dma_wait3A_691 = arith.constant 0 : i32
      %dma_wait3A_692 = tpu.memref_slice %arg6[%dma_wait3A_681, %dma_wait3A_690, %dma_wait3A_691] : memref<6x16x1024xf32, #tpu.memory_space<vmem>> -> memref<1x16x1024xf32, #tpu.memory_space<vmem>>
      %dma_wait3A_693 = tpu.memref_squeeze %dma_wait3A_692 : memref<1x16x1024xf32, #tpu.memory_space<vmem>> -> memref<16x1024xf32, #tpu.memory_space<vmem>>
      tpu.wait_dma2 semaphore(%arg13 : memref<!tpu.dma_semaphore, #tpu.memory_space<semaphore_mem>>) src(%dma_wait3A_693 : memref<16x1024xf32, #tpu.memory_space<vmem>>) dst(%dma_wait3A_689 : memref<16x1024xf32, #tpu.memory_space<hbm>>)
      %add3A_694 = arith.constant 6 : i32
      %add3A_695 = arith.addi %add3A_653, %add3A_694 : i32
      %sub3A_696 = arith.constant 1 : i32
      %sub3A_697 = arith.subi %add3A_695, %sub3A_696 : i32
      %dma_start3A_698 = arith.constant 0 : i32
      %dma_start3A_699 = arith.constant 0 : i32
      %dma_start3A_700 = arith.constant 0 : i32
      %dma_start3A_701 = tpu.memref_slice %arg6[%dma_start3A_698, %dma_start3A_699, %dma_start3A_700] : memref<6x16x1024xf32, #tpu.memory_space<vmem>> -> memref<1x16x1024xf32, #tpu.memory_space<vmem>>
      %dma_start3A_702 = tpu.memref_squeeze %dma_start3A_701 : memref<1x16x1024xf32, #tpu.memory_space<vmem>> -> memref<16x1024xf32, #tpu.memory_space<vmem>>
      %dma_start3A_703 = arith.constant 0 : i32
      %dma_start3A_704 = tpu.memref_slice %arg5[%sub3A_697, %dma_start3A_703] : memref<64x16xi32, #tpu.memory_space<vmem>> -> memref<1x16xi32, #tpu.memory_space<vmem>>
      %dma_start3A_705 = tpu.memref_squeeze %dma_start3A_704 : memref<1x16xi32, #tpu.memory_space<vmem>> -> memref<16xi32, #tpu.memory_space<vmem>>
      %dma_start3A_706 = arith.constant 0 : i32
      %dma_start3A_707 = arith.constant 0 : i32
      %dma_start3A_708 = tpu.memref_slice %arg3[%dma_start3A_706, %dma_start3A_707] : memref<8192x1024xf32, #tpu.memory_space<hbm>> -> memref<8192x1024xf32, #tpu.memory_space<hbm>>
      tpu.enqueue_indirect_dma source(%dma_start3A_708 : memref<8192x1024xf32, #tpu.memory_space<hbm>>) target(%dma_start3A_702 : memref<16x1024xf32, #tpu.memory_space<vmem>>) offsets(%dma_start3A_705 : memref<16xi32, #tpu.memory_space<vmem>>) semaphore(%arg7 : memref<!tpu.dma_semaphore, #tpu.memory_space<semaphore_mem>>)
      %mul3A_709 = arith.constant 6 : i32
      %mul3A_710 = arith.muli %scan3A_526, %mul3A_709 : i32
      %add3A_711 = arith.constant 5 : i32
      %add3A_712 = arith.addi %add3A_711, %mul3A_710 : i32
      %add3A_713 = arith.constant 3 : i32
      %add3A_714 = arith.addi %add3A_712, %add3A_713 : i32
      %dma_wait3A_715 = arith.constant 2 : i32
      %dma_wait3A_716 = arith.constant 0 : i32
      %dma_wait3A_717 = arith.constant 0 : i32
      %dma_wait3A_718 = tpu.memref_slice %arg6[%dma_wait3A_715, %dma_wait3A_716, %dma_wait3A_717] : memref<6x16x1024xf32, #tpu.memory_space<vmem>> -> memref<1x16x1024xf32, #tpu.memory_space<vmem>>
      %dma_wait3A_719 = tpu.memref_squeeze %dma_wait3A_718 : memref<1x16x1024xf32, #tpu.memory_space<vmem>> -> memref<16x1024xf32, #tpu.memory_space<vmem>>
      %dma_wait3A_720 = arith.constant 0 : i32
      %dma_wait3A_721 = tpu.memref_slice %arg5[%add3A_714, %dma_wait3A_720] : memref<64x16xi32, #tpu.memory_space<vmem>> -> memref<1x16xi32, #tpu.memory_space<vmem>>
      %dma_wait3A_722 = tpu.memref_squeeze %dma_wait3A_721 : memref<1x16xi32, #tpu.memory_space<vmem>> -> memref<16xi32, #tpu.memory_space<vmem>>
      %dma_wait3A_723 = arith.constant 0 : i32
      %dma_wait3A_724 = arith.constant 0 : i32
      %dma_wait3A_725 = tpu.memref_slice %arg3[%dma_wait3A_723, %dma_wait3A_724] : memref<8192x1024xf32, #tpu.memory_space<hbm>> -> memref<8192x1024xf32, #tpu.memory_space<hbm>>
      tpu.wait_indirect_dma semaphore(%arg9 : memref<!tpu.dma_semaphore, #tpu.memory_space<semaphore_mem>>) src(%dma_wait3A_725 : memref<8192x1024xf32, #tpu.memory_space<hbm>>) dst(%dma_wait3A_719 : memref<16x1024xf32, #tpu.memory_space<vmem>>)
      %mul3A_726 = arith.constant 16 : i32
      %mul3A_727 = arith.muli %add3A_714, %mul3A_726 : i32
      %add3A_728 = arith.addi %mul3A_2, %mul3A_727 : i32
      %dma_start3A_729 = arith.constant 2 : i32
      %dma_start3A_730 = arith.constant 0 : i32
      %dma_start3A_731 = arith.constant 0 : i32
      %dma_start3A_732 = tpu.memref_slice %arg6[%dma_start3A_729, %dma_start3A_730, %dma_start3A_731] : memref<6x16x1024xf32, #tpu.memory_space<vmem>> -> memref<1x16x1024xf32, #tpu.memory_space<vmem>>
      %dma_start3A_733 = tpu.memref_squeeze %dma_start3A_732 : memref<1x16x1024xf32, #tpu.memory_space<vmem>> -> memref<16x1024xf32, #tpu.memory_space<vmem>>
      %dma_start3A_734 = arith.constant 0 : i32
      %dma_start3A_735 = tpu.memref_slice %arg4[%add3A_728, %dma_start3A_734] : memref<32768x1024xf32, #tpu.memory_space<hbm>> -> memref<16x1024xf32, #tpu.memory_space<hbm>>
      %dma_start3A_736 = arith.constant 0 : i32
      %dma_start3A_737 = tpu.memref_slice %arg4[%add3A_728, %dma_start3A_736] : memref<32768x1024xf32, #tpu.memory_space<hbm>> -> memref<16x1024xf32, #tpu.memory_space<hbm>>
      %dma_start3A_738 = arith.constant 0 : i32
      %dma_start3A_739 = arith.constant 0 : i32
      %dma_start3A_740 = tpu.memref_slice %arg6[%dma_start3A_729, %dma_start3A_738, %dma_start3A_739] : memref<6x16x1024xf32, #tpu.memory_space<vmem>> -> memref<1x16x1024xf32, #tpu.memory_space<vmem>>
      %dma_start3A_741 = tpu.memref_squeeze %dma_start3A_740 : memref<1x16x1024xf32, #tpu.memory_space<vmem>> -> memref<16x1024xf32, #tpu.memory_space<vmem>>
      tpu.enqueue_dma source(%dma_start3A_741 : memref<16x1024xf32, #tpu.memory_space<vmem>>) target(%dma_start3A_737 : memref<16x1024xf32, #tpu.memory_space<hbm>>) target_semaphore(%arg15 : memref<!tpu.dma_semaphore, #tpu.memory_space<semaphore_mem>>)
      %dma_wait3A_742 = arith.constant 1 : i32
      %dma_wait3A_743 = arith.constant 0 : i32
      %dma_wait3A_744 = arith.constant 0 : i32
      %dma_wait3A_745 = tpu.memref_slice %arg6[%dma_wait3A_742, %dma_wait3A_743, %dma_wait3A_744] : memref<6x16x1024xf32, #tpu.memory_space<vmem>> -> memref<1x16x1024xf32, #tpu.memory_space<vmem>>
      %dma_wait3A_746 = tpu.memref_squeeze %dma_wait3A_745 : memref<1x16x1024xf32, #tpu.memory_space<vmem>> -> memref<16x1024xf32, #tpu.memory_space<vmem>>
      %dma_wait3A_747 = arith.constant 0 : i32
      %dma_wait3A_748 = tpu.memref_slice %arg4[%mul3A_2, %dma_wait3A_747] : memref<32768x1024xf32, #tpu.memory_space<hbm>> -> memref<16x1024xf32, #tpu.memory_space<hbm>>
      %dma_wait3A_749 = arith.constant 0 : i32
      %dma_wait3A_750 = tpu.memref_slice %arg4[%mul3A_2, %dma_wait3A_749] : memref<32768x1024xf32, #tpu.memory_space<hbm>> -> memref<16x1024xf32, #tpu.memory_space<hbm>>
      %dma_wait3A_751 = arith.constant 0 : i32
      %dma_wait3A_752 = arith.constant 0 : i32
      %dma_wait3A_753 = tpu.memref_slice %arg6[%dma_wait3A_742, %dma_wait3A_751, %dma_wait3A_752] : memref<6x16x1024xf32, #tpu.memory_space<vmem>> -> memref<1x16x1024xf32, #tpu.memory_space<vmem>>
      %dma_wait3A_754 = tpu.memref_squeeze %dma_wait3A_753 : memref<1x16x1024xf32, #tpu.memory_space<vmem>> -> memref<16x1024xf32, #tpu.memory_space<vmem>>
      tpu.wait_dma2 semaphore(%arg14 : memref<!tpu.dma_semaphore, #tpu.memory_space<semaphore_mem>>) src(%dma_wait3A_754 : memref<16x1024xf32, #tpu.memory_space<vmem>>) dst(%dma_wait3A_750 : memref<16x1024xf32, #tpu.memory_space<hbm>>)
      %add3A_755 = arith.constant 6 : i32
      %add3A_756 = arith.addi %add3A_714, %add3A_755 : i32
      %sub3A_757 = arith.constant 1 : i32
      %sub3A_758 = arith.subi %add3A_756, %sub3A_757 : i32
      %dma_start3A_759 = arith.constant 1 : i32
      %dma_start3A_760 = arith.constant 0 : i32
      %dma_start3A_761 = arith.constant 0 : i32
      %dma_start3A_762 = tpu.memref_slice %arg6[%dma_start3A_759, %dma_start3A_760, %dma_start3A_761] : memref<6x16x1024xf32, #tpu.memory_space<vmem>> -> memref<1x16x1024xf32, #tpu.memory_space<vmem>>
      %dma_start3A_763 = tpu.memref_squeeze %dma_start3A_762 : memref<1x16x1024xf32, #tpu.memory_space<vmem>> -> memref<16x1024xf32, #tpu.memory_space<vmem>>
      %dma_start3A_764 = arith.constant 0 : i32
      %dma_start3A_765 = tpu.memref_slice %arg5[%sub3A_758, %dma_start3A_764] : memref<64x16xi32, #tpu.memory_space<vmem>> -> memref<1x16xi32, #tpu.memory_space<vmem>>
      %dma_start3A_766 = tpu.memref_squeeze %dma_start3A_765 : memref<1x16xi32, #tpu.memory_space<vmem>> -> memref<16xi32, #tpu.memory_space<vmem>>
      %dma_start3A_767 = arith.constant 0 : i32
      %dma_start3A_768 = arith.constant 0 : i32
      %dma_start3A_769 = tpu.memref_slice %arg3[%dma_start3A_767, %dma_start3A_768] : memref<8192x1024xf32, #tpu.memory_space<hbm>> -> memref<8192x1024xf32, #tpu.memory_space<hbm>>
      tpu.enqueue_indirect_dma source(%dma_start3A_769 : memref<8192x1024xf32, #tpu.memory_space<hbm>>) target(%dma_start3A_763 : memref<16x1024xf32, #tpu.memory_space<vmem>>) offsets(%dma_start3A_766 : memref<16xi32, #tpu.memory_space<vmem>>) semaphore(%arg8 : memref<!tpu.dma_semaphore, #tpu.memory_space<semaphore_mem>>)
      %mul3A_770 = arith.constant 6 : i32
      %mul3A_771 = arith.muli %scan3A_526, %mul3A_770 : i32
      %add3A_772 = arith.constant 5 : i32
      %add3A_773 = arith.addi %add3A_772, %mul3A_771 : i32
      %add3A_774 = arith.constant 4 : i32
      %add3A_775 = arith.addi %add3A_773, %add3A_774 : i32
      %dma_wait3A_776 = arith.constant 3 : i32
      %dma_wait3A_777 = arith.constant 0 : i32
      %dma_wait3A_778 = arith.constant 0 : i32
      %dma_wait3A_779 = tpu.memref_slice %arg6[%dma_wait3A_776, %dma_wait3A_777, %dma_wait3A_778] : memref<6x16x1024xf32, #tpu.memory_space<vmem>> -> memref<1x16x1024xf32, #tpu.memory_space<vmem>>
      %dma_wait3A_780 = tpu.memref_squeeze %dma_wait3A_779 : memref<1x16x1024xf32, #tpu.memory_space<vmem>> -> memref<16x1024xf32, #tpu.memory_space<vmem>>
      %dma_wait3A_781 = arith.constant 0 : i32
      %dma_wait3A_782 = tpu.memref_slice %arg5[%add3A_775, %dma_wait3A_781] : memref<64x16xi32, #tpu.memory_space<vmem>> -> memref<1x16xi32, #tpu.memory_space<vmem>>
      %dma_wait3A_783 = tpu.memref_squeeze %dma_wait3A_782 : memref<1x16xi32, #tpu.memory_space<vmem>> -> memref<16xi32, #tpu.memory_space<vmem>>
      %dma_wait3A_784 = arith.constant 0 : i32
      %dma_wait3A_785 = arith.constant 0 : i32
      %dma_wait3A_786 = tpu.memref_slice %arg3[%dma_wait3A_784, %dma_wait3A_785] : memref<8192x1024xf32, #tpu.memory_space<hbm>> -> memref<8192x1024xf32, #tpu.memory_space<hbm>>
      tpu.wait_indirect_dma semaphore(%arg10 : memref<!tpu.dma_semaphore, #tpu.memory_space<semaphore_mem>>) src(%dma_wait3A_786 : memref<8192x1024xf32, #tpu.memory_space<hbm>>) dst(%dma_wait3A_780 : memref<16x1024xf32, #tpu.memory_space<vmem>>)
      %mul3A_787 = arith.constant 16 : i32
      %mul3A_788 = arith.muli %add3A_775, %mul3A_787 : i32
      %add3A_789 = arith.addi %mul3A_2, %mul3A_788 : i32
      %dma_start3A_790 = arith.constant 3 : i32
      %dma_start3A_791 = arith.constant 0 : i32
      %dma_start3A_792 = arith.constant 0 : i32
      %dma_start3A_793 = tpu.memref_slice %arg6[%dma_start3A_790, %dma_start3A_791, %dma_start3A_792] : memref<6x16x1024xf32, #tpu.memory_space<vmem>> -> memref<1x16x1024xf32, #tpu.memory_space<vmem>>
      %dma_start3A_794 = tpu.memref_squeeze %dma_start3A_793 : memref<1x16x1024xf32, #tpu.memory_space<vmem>> -> memref<16x1024xf32, #tpu.memory_space<vmem>>
      %dma_start3A_795 = arith.constant 0 : i32
      %dma_start3A_796 = tpu.memref_slice %arg4[%add3A_789, %dma_start3A_795] : memref<32768x1024xf32, #tpu.memory_space<hbm>> -> memref<16x1024xf32, #tpu.memory_space<hbm>>
      %dma_start3A_797 = arith.constant 0 : i32
      %dma_start3A_798 = tpu.memref_slice %arg4[%add3A_789, %dma_start3A_797] : memref<32768x1024xf32, #tpu.memory_space<hbm>> -> memref<16x1024xf32, #tpu.memory_space<hbm>>
      %dma_start3A_799 = arith.constant 0 : i32
      %dma_start3A_800 = arith.constant 0 : i32
      %dma_start3A_801 = tpu.memref_slice %arg6[%dma_start3A_790, %dma_start3A_799, %dma_start3A_800] : memref<6x16x1024xf32, #tpu.memory_space<vmem>> -> memref<1x16x1024xf32, #tpu.memory_space<vmem>>
      %dma_start3A_802 = tpu.memref_squeeze %dma_start3A_801 : memref<1x16x1024xf32, #tpu.memory_space<vmem>> -> memref<16x1024xf32, #tpu.memory_space<vmem>>
      tpu.enqueue_dma source(%dma_start3A_802 : memref<16x1024xf32, #tpu.memory_space<vmem>>) target(%dma_start3A_798 : memref<16x1024xf32, #tpu.memory_space<hbm>>) target_semaphore(%arg16 : memref<!tpu.dma_semaphore, #tpu.memory_space<semaphore_mem>>)
      %dma_wait3A_803 = arith.constant 2 : i32
      %dma_wait3A_804 = arith.constant 0 : i32
      %dma_wait3A_805 = arith.constant 0 : i32
      %dma_wait3A_806 = tpu.memref_slice %arg6[%dma_wait3A_803, %dma_wait3A_804, %dma_wait3A_805] : memref<6x16x1024xf32, #tpu.memory_space<vmem>> -> memref<1x16x1024xf32, #tpu.memory_space<vmem>>
      %dma_wait3A_807 = tpu.memref_squeeze %dma_wait3A_806 : memref<1x16x1024xf32, #tpu.memory_space<vmem>> -> memref<16x1024xf32, #tpu.memory_space<vmem>>
      %dma_wait3A_808 = arith.constant 0 : i32
      %dma_wait3A_809 = tpu.memref_slice %arg4[%mul3A_2, %dma_wait3A_808] : memref<32768x1024xf32, #tpu.memory_space<hbm>> -> memref<16x1024xf32, #tpu.memory_space<hbm>>
      %dma_wait3A_810 = arith.constant 0 : i32
      %dma_wait3A_811 = tpu.memref_slice %arg4[%mul3A_2, %dma_wait3A_810] : memref<32768x1024xf32, #tpu.memory_space<hbm>> -> memref<16x1024xf32, #tpu.memory_space<hbm>>
      %dma_wait3A_812 = arith.constant 0 : i32
      %dma_wait3A_813 = arith.constant 0 : i32
      %dma_wait3A_814 = tpu.memref_slice %arg6[%dma_wait3A_803, %dma_wait3A_812, %dma_wait3A_813] : memref<6x16x1024xf32, #tpu.memory_space<vmem>> -> memref<1x16x1024xf32, #tpu.memory_space<vmem>>
      %dma_wait3A_815 = tpu.memref_squeeze %dma_wait3A_814 : memref<1x16x1024xf32, #tpu.memory_space<vmem>> -> memref<16x1024xf32, #tpu.memory_space<vmem>>
      tpu.wait_dma2 semaphore(%arg15 : memref<!tpu.dma_semaphore, #tpu.memory_space<semaphore_mem>>) src(%dma_wait3A_815 : memref<16x1024xf32, #tpu.memory_space<vmem>>) dst(%dma_wait3A_811 : memref<16x1024xf32, #tpu.memory_space<hbm>>)
      %add3A_816 = arith.constant 6 : i32
      %add3A_817 = arith.addi %add3A_775, %add3A_816 : i32
      %sub3A_818 = arith.constant 1 : i32
      %sub3A_819 = arith.subi %add3A_817, %sub3A_818 : i32
      %dma_start3A_820 = arith.constant 2 : i32
      %dma_start3A_821 = arith.constant 0 : i32
      %dma_start3A_822 = arith.constant 0 : i32
      %dma_start3A_823 = tpu.memref_slice %arg6[%dma_start3A_820, %dma_start3A_821, %dma_start3A_822] : memref<6x16x1024xf32, #tpu.memory_space<vmem>> -> memref<1x16x1024xf32, #tpu.memory_space<vmem>>
      %dma_start3A_824 = tpu.memref_squeeze %dma_start3A_823 : memref<1x16x1024xf32, #tpu.memory_space<vmem>> -> memref<16x1024xf32, #tpu.memory_space<vmem>>
      %dma_start3A_825 = arith.constant 0 : i32
      %dma_start3A_826 = tpu.memref_slice %arg5[%sub3A_819, %dma_start3A_825] : memref<64x16xi32, #tpu.memory_space<vmem>> -> memref<1x16xi32, #tpu.memory_space<vmem>>
      %dma_start3A_827 = tpu.memref_squeeze %dma_start3A_826 : memref<1x16xi32, #tpu.memory_space<vmem>> -> memref<16xi32, #tpu.memory_space<vmem>>
      %dma_start3A_828 = arith.constant 0 : i32
      %dma_start3A_829 = arith.constant 0 : i32
      %dma_start3A_830 = tpu.memref_slice %arg3[%dma_start3A_828, %dma_start3A_829] : memref<8192x1024xf32, #tpu.memory_space<hbm>> -> memref<8192x1024xf32, #tpu.memory_space<hbm>>
      tpu.enqueue_indirect_dma source(%dma_start3A_830 : memref<8192x1024xf32, #tpu.memory_space<hbm>>) target(%dma_start3A_824 : memref<16x1024xf32, #tpu.memory_space<vmem>>) offsets(%dma_start3A_827 : memref<16xi32, #tpu.memory_space<vmem>>) semaphore(%arg9 : memref<!tpu.dma_semaphore, #tpu.memory_space<semaphore_mem>>)
      %mul3A_831 = arith.constant 6 : i32
      %mul3A_832 = arith.muli %scan3A_526, %mul3A_831 : i32
      %add3A_833 = arith.constant 5 : i32
      %add3A_834 = arith.addi %add3A_833, %mul3A_832 : i32
      %add3A_835 = arith.constant 5 : i32
      %add3A_836 = arith.addi %add3A_834, %add3A_835 : i32
      %dma_wait3A_837 = arith.constant 4 : i32
      %dma_wait3A_838 = arith.constant 0 : i32
      %dma_wait3A_839 = arith.constant 0 : i32
      %dma_wait3A_840 = tpu.memref_slice %arg6[%dma_wait3A_837, %dma_wait3A_838, %dma_wait3A_839] : memref<6x16x1024xf32, #tpu.memory_space<vmem>> -> memref<1x16x1024xf32, #tpu.memory_space<vmem>>
      %dma_wait3A_841 = tpu.memref_squeeze %dma_wait3A_840 : memref<1x16x1024xf32, #tpu.memory_space<vmem>> -> memref<16x1024xf32, #tpu.memory_space<vmem>>
      %dma_wait3A_842 = arith.constant 0 : i32
      %dma_wait3A_843 = tpu.memref_slice %arg5[%add3A_836, %dma_wait3A_842] : memref<64x16xi32, #tpu.memory_space<vmem>> -> memref<1x16xi32, #tpu.memory_space<vmem>>
      %dma_wait3A_844 = tpu.memref_squeeze %dma_wait3A_843 : memref<1x16xi32, #tpu.memory_space<vmem>> -> memref<16xi32, #tpu.memory_space<vmem>>
      %dma_wait3A_845 = arith.constant 0 : i32
      %dma_wait3A_846 = arith.constant 0 : i32
      %dma_wait3A_847 = tpu.memref_slice %arg3[%dma_wait3A_845, %dma_wait3A_846] : memref<8192x1024xf32, #tpu.memory_space<hbm>> -> memref<8192x1024xf32, #tpu.memory_space<hbm>>
      tpu.wait_indirect_dma semaphore(%arg11 : memref<!tpu.dma_semaphore, #tpu.memory_space<semaphore_mem>>) src(%dma_wait3A_847 : memref<8192x1024xf32, #tpu.memory_space<hbm>>) dst(%dma_wait3A_841 : memref<16x1024xf32, #tpu.memory_space<vmem>>)
      %mul3A_848 = arith.constant 16 : i32
      %mul3A_849 = arith.muli %add3A_836, %mul3A_848 : i32
      %add3A_850 = arith.addi %mul3A_2, %mul3A_849 : i32
      %dma_start3A_851 = arith.constant 4 : i32
      %dma_start3A_852 = arith.constant 0 : i32
      %dma_start3A_853 = arith.constant 0 : i32
      %dma_start3A_854 = tpu.memref_slice %arg6[%dma_start3A_851, %dma_start3A_852, %dma_start3A_853] : memref<6x16x1024xf32, #tpu.memory_space<vmem>> -> memref<1x16x1024xf32, #tpu.memory_space<vmem>>
      %dma_start3A_855 = tpu.memref_squeeze %dma_start3A_854 : memref<1x16x1024xf32, #tpu.memory_space<vmem>> -> memref<16x1024xf32, #tpu.memory_space<vmem>>
      %dma_start3A_856 = arith.constant 0 : i32
      %dma_start3A_857 = tpu.memref_slice %arg4[%add3A_850, %dma_start3A_856] : memref<32768x1024xf32, #tpu.memory_space<hbm>> -> memref<16x1024xf32, #tpu.memory_space<hbm>>
      %dma_start3A_858 = arith.constant 0 : i32
      %dma_start3A_859 = tpu.memref_slice %arg4[%add3A_850, %dma_start3A_858] : memref<32768x1024xf32, #tpu.memory_space<hbm>> -> memref<16x1024xf32, #tpu.memory_space<hbm>>
      %dma_start3A_860 = arith.constant 0 : i32
      %dma_start3A_861 = arith.constant 0 : i32
      %dma_start3A_862 = tpu.memref_slice %arg6[%dma_start3A_851, %dma_start3A_860, %dma_start3A_861] : memref<6x16x1024xf32, #tpu.memory_space<vmem>> -> memref<1x16x1024xf32, #tpu.memory_space<vmem>>
      %dma_start3A_863 = tpu.memref_squeeze %dma_start3A_862 : memref<1x16x1024xf32, #tpu.memory_space<vmem>> -> memref<16x1024xf32, #tpu.memory_space<vmem>>
      tpu.enqueue_dma source(%dma_start3A_863 : memref<16x1024xf32, #tpu.memory_space<vmem>>) target(%dma_start3A_859 : memref<16x1024xf32, #tpu.memory_space<hbm>>) target_semaphore(%arg17 : memref<!tpu.dma_semaphore, #tpu.memory_space<semaphore_mem>>)
      %dma_wait3A_864 = arith.constant 3 : i32
      %dma_wait3A_865 = arith.constant 0 : i32
      %dma_wait3A_866 = arith.constant 0 : i32
      %dma_wait3A_867 = tpu.memref_slice %arg6[%dma_wait3A_864, %dma_wait3A_865, %dma_wait3A_866] : memref<6x16x1024xf32, #tpu.memory_space<vmem>> -> memref<1x16x1024xf32, #tpu.memory_space<vmem>>
      %dma_wait3A_868 = tpu.memref_squeeze %dma_wait3A_867 : memref<1x16x1024xf32, #tpu.memory_space<vmem>> -> memref<16x1024xf32, #tpu.memory_space<vmem>>
      %dma_wait3A_869 = arith.constant 0 : i32
      %dma_wait3A_870 = tpu.memref_slice %arg4[%mul3A_2, %dma_wait3A_869] : memref<32768x1024xf32, #tpu.memory_space<hbm>> -> memref<16x1024xf32, #tpu.memory_space<hbm>>
      %dma_wait3A_871 = arith.constant 0 : i32
      %dma_wait3A_872 = tpu.memref_slice %arg4[%mul3A_2, %dma_wait3A_871] : memref<32768x1024xf32, #tpu.memory_space<hbm>> -> memref<16x1024xf32, #tpu.memory_space<hbm>>
      %dma_wait3A_873 = arith.constant 0 : i32
      %dma_wait3A_874 = arith.constant 0 : i32
      %dma_wait3A_875 = tpu.memref_slice %arg6[%dma_wait3A_864, %dma_wait3A_873, %dma_wait3A_874] : memref<6x16x1024xf32, #tpu.memory_space<vmem>> -> memref<1x16x1024xf32, #tpu.memory_space<vmem>>
      %dma_wait3A_876 = tpu.memref_squeeze %dma_wait3A_875 : memref<1x16x1024xf32, #tpu.memory_space<vmem>> -> memref<16x1024xf32, #tpu.memory_space<vmem>>
      tpu.wait_dma2 semaphore(%arg16 : memref<!tpu.dma_semaphore, #tpu.memory_space<semaphore_mem>>) src(%dma_wait3A_876 : memref<16x1024xf32, #tpu.memory_space<vmem>>) dst(%dma_wait3A_872 : memref<16x1024xf32, #tpu.memory_space<hbm>>)
      %add3A_877 = arith.constant 6 : i32
      %add3A_878 = arith.addi %add3A_836, %add3A_877 : i32
      %sub3A_879 = arith.constant 1 : i32
      %sub3A_880 = arith.subi %add3A_878, %sub3A_879 : i32
      %dma_start3A_881 = arith.constant 3 : i32
      %dma_start3A_882 = arith.constant 0 : i32
      %dma_start3A_883 = arith.constant 0 : i32
      %dma_start3A_884 = tpu.memref_slice %arg6[%dma_start3A_881, %dma_start3A_882, %dma_start3A_883] : memref<6x16x1024xf32, #tpu.memory_space<vmem>> -> memref<1x16x1024xf32, #tpu.memory_space<vmem>>
      %dma_start3A_885 = tpu.memref_squeeze %dma_start3A_884 : memref<1x16x1024xf32, #tpu.memory_space<vmem>> -> memref<16x1024xf32, #tpu.memory_space<vmem>>
      %dma_start3A_886 = arith.constant 0 : i32
      %dma_start3A_887 = tpu.memref_slice %arg5[%sub3A_880, %dma_start3A_886] : memref<64x16xi32, #tpu.memory_space<vmem>> -> memref<1x16xi32, #tpu.memory_space<vmem>>
      %dma_start3A_888 = tpu.memref_squeeze %dma_start3A_887 : memref<1x16xi32, #tpu.memory_space<vmem>> -> memref<16xi32, #tpu.memory_space<vmem>>
      %dma_start3A_889 = arith.constant 0 : i32
      %dma_start3A_890 = arith.constant 0 : i32
      %dma_start3A_891 = tpu.memref_slice %arg3[%dma_start3A_889, %dma_start3A_890] : memref<8192x1024xf32, #tpu.memory_space<hbm>> -> memref<8192x1024xf32, #tpu.memory_space<hbm>>
      tpu.enqueue_indirect_dma source(%dma_start3A_891 : memref<8192x1024xf32, #tpu.memory_space<hbm>>) target(%dma_start3A_885 : memref<16x1024xf32, #tpu.memory_space<vmem>>) offsets(%dma_start3A_888 : memref<16xi32, #tpu.memory_space<vmem>>) semaphore(%arg10 : memref<!tpu.dma_semaphore, #tpu.memory_space<semaphore_mem>>)
    }
    %scan3A_312 = arith.constant 9 : i32
    %dma_wait3A_313 = arith.constant 59 : i32
    %dma_wait3A_314 = arith.constant 5 : i32
    %dma_wait3A_315 = arith.constant 0 : i32
    %dma_wait3A_316 = arith.constant 0 : i32
    %dma_wait3A_317 = tpu.memref_slice %arg6[%dma_wait3A_314, %dma_wait3A_315, %dma_wait3A_316] : memref<6x16x1024xf32, #tpu.memory_space<vmem>> -> memref<1x16x1024xf32, #tpu.memory_space<vmem>>
    %dma_wait3A_318 = tpu.memref_squeeze %dma_wait3A_317 : memref<1x16x1024xf32, #tpu.memory_space<vmem>> -> memref<16x1024xf32, #tpu.memory_space<vmem>>
    %dma_wait3A_319 = arith.constant 0 : i32
    %dma_wait3A_320 = tpu.memref_slice %arg5[%dma_wait3A_313, %dma_wait3A_319] : memref<64x16xi32, #tpu.memory_space<vmem>> -> memref<1x16xi32, #tpu.memory_space<vmem>>
    %dma_wait3A_321 = tpu.memref_squeeze %dma_wait3A_320 : memref<1x16xi32, #tpu.memory_space<vmem>> -> memref<16xi32, #tpu.memory_space<vmem>>
    %dma_wait3A_322 = arith.constant 0 : i32
    %dma_wait3A_323 = arith.constant 0 : i32
    %dma_wait3A_324 = tpu.memref_slice %arg3[%dma_wait3A_322, %dma_wait3A_323] : memref<8192x1024xf32, #tpu.memory_space<hbm>> -> memref<8192x1024xf32, #tpu.memory_space<hbm>>
    tpu.wait_indirect_dma semaphore(%arg12 : memref<!tpu.dma_semaphore, #tpu.memory_space<semaphore_mem>>) src(%dma_wait3A_324 : memref<8192x1024xf32, #tpu.memory_space<hbm>>) dst(%dma_wait3A_318 : memref<16x1024xf32, #tpu.memory_space<vmem>>)
    %add3A_325 = arith.constant 944 : i32
    %add3A_326 = arith.addi %mul3A_2, %add3A_325 : i32
    %dma_start3A_327 = arith.constant 5 : i32
    %dma_start3A_328 = arith.constant 0 : i32
    %dma_start3A_329 = arith.constant 0 : i32
    %dma_start3A_330 = tpu.memref_slice %arg6[%dma_start3A_327, %dma_start3A_328, %dma_start3A_329] : memref<6x16x1024xf32, #tpu.memory_space<vmem>> -> memref<1x16x1024xf32, #tpu.memory_space<vmem>>
    %dma_start3A_331 = tpu.memref_squeeze %dma_start3A_330 : memref<1x16x1024xf32, #tpu.memory_space<vmem>> -> memref<16x1024xf32, #tpu.memory_space<vmem>>
    %dma_start3A_332 = arith.constant 0 : i32
    %dma_start3A_333 = tpu.memref_slice %arg4[%add3A_326, %dma_start3A_332] : memref<32768x1024xf32, #tpu.memory_space<hbm>> -> memref<16x1024xf32, #tpu.memory_space<hbm>>
    %dma_start3A_334 = arith.constant 0 : i32
    %dma_start3A_335 = tpu.memref_slice %arg4[%add3A_326, %dma_start3A_334] : memref<32768x1024xf32, #tpu.memory_space<hbm>> -> memref<16x1024xf32, #tpu.memory_space<hbm>>
    %dma_start3A_336 = arith.constant 0 : i32
    %dma_start3A_337 = arith.constant 0 : i32
    %dma_start3A_338 = tpu.memref_slice %arg6[%dma_start3A_327, %dma_start3A_336, %dma_start3A_337] : memref<6x16x1024xf32, #tpu.memory_space<vmem>> -> memref<1x16x1024xf32, #tpu.memory_space<vmem>>
    %dma_start3A_339 = tpu.memref_squeeze %dma_start3A_338 : memref<1x16x1024xf32, #tpu.memory_space<vmem>> -> memref<16x1024xf32, #tpu.memory_space<vmem>>
    tpu.enqueue_dma source(%dma_start3A_339 : memref<16x1024xf32, #tpu.memory_space<vmem>>) target(%dma_start3A_335 : memref<16x1024xf32, #tpu.memory_space<hbm>>) target_semaphore(%arg18 : memref<!tpu.dma_semaphore, #tpu.memory_space<semaphore_mem>>)
    %dma_wait3A_340 = arith.constant 60 : i32
    %dma_wait3A_341 = arith.constant 0 : i32
    %dma_wait3A_342 = arith.constant 0 : i32
    %dma_wait3A_343 = arith.constant 0 : i32
    %dma_wait3A_344 = tpu.memref_slice %arg6[%dma_wait3A_341, %dma_wait3A_342, %dma_wait3A_343] : memref<6x16x1024xf32, #tpu.memory_space<vmem>> -> memref<1x16x1024xf32, #tpu.memory_space<vmem>>
    %dma_wait3A_345 = tpu.memref_squeeze %dma_wait3A_344 : memref<1x16x1024xf32, #tpu.memory_space<vmem>> -> memref<16x1024xf32, #tpu.memory_space<vmem>>
    %dma_wait3A_346 = arith.constant 0 : i32
    %dma_wait3A_347 = tpu.memref_slice %arg5[%dma_wait3A_340, %dma_wait3A_346] : memref<64x16xi32, #tpu.memory_space<vmem>> -> memref<1x16xi32, #tpu.memory_space<vmem>>
    %dma_wait3A_348 = tpu.memref_squeeze %dma_wait3A_347 : memref<1x16xi32, #tpu.memory_space<vmem>> -> memref<16xi32, #tpu.memory_space<vmem>>
    %dma_wait3A_349 = arith.constant 0 : i32
    %dma_wait3A_350 = arith.constant 0 : i32
    %dma_wait3A_351 = tpu.memref_slice %arg3[%dma_wait3A_349, %dma_wait3A_350] : memref<8192x1024xf32, #tpu.memory_space<hbm>> -> memref<8192x1024xf32, #tpu.memory_space<hbm>>
    tpu.wait_indirect_dma semaphore(%arg7 : memref<!tpu.dma_semaphore, #tpu.memory_space<semaphore_mem>>) src(%dma_wait3A_351 : memref<8192x1024xf32, #tpu.memory_space<hbm>>) dst(%dma_wait3A_345 : memref<16x1024xf32, #tpu.memory_space<vmem>>)
    %add3A_352 = arith.constant 960 : i32
    %add3A_353 = arith.addi %mul3A_2, %add3A_352 : i32
    %dma_start3A_354 = arith.constant 0 : i32
    %dma_start3A_355 = arith.constant 0 : i32
    %dma_start3A_356 = arith.constant 0 : i32
    %dma_start3A_357 = tpu.memref_slice %arg6[%dma_start3A_354, %dma_start3A_355, %dma_start3A_356] : memref<6x16x1024xf32, #tpu.memory_space<vmem>> -> memref<1x16x1024xf32, #tpu.memory_space<vmem>>
    %dma_start3A_358 = tpu.memref_squeeze %dma_start3A_357 : memref<1x16x1024xf32, #tpu.memory_space<vmem>> -> memref<16x1024xf32, #tpu.memory_space<vmem>>
    %dma_start3A_359 = arith.constant 0 : i32
    %dma_start3A_360 = tpu.memref_slice %arg4[%add3A_353, %dma_start3A_359] : memref<32768x1024xf32, #tpu.memory_space<hbm>> -> memref<16x1024xf32, #tpu.memory_space<hbm>>
    %dma_start3A_361 = arith.constant 0 : i32
    %dma_start3A_362 = tpu.memref_slice %arg4[%add3A_353, %dma_start3A_361] : memref<32768x1024xf32, #tpu.memory_space<hbm>> -> memref<16x1024xf32, #tpu.memory_space<hbm>>
    %dma_start3A_363 = arith.constant 0 : i32
    %dma_start3A_364 = arith.constant 0 : i32
    %dma_start3A_365 = tpu.memref_slice %arg6[%dma_start3A_354, %dma_start3A_363, %dma_start3A_364] : memref<6x16x1024xf32, #tpu.memory_space<vmem>> -> memref<1x16x1024xf32, #tpu.memory_space<vmem>>
    %dma_start3A_366 = tpu.memref_squeeze %dma_start3A_365 : memref<1x16x1024xf32, #tpu.memory_space<vmem>> -> memref<16x1024xf32, #tpu.memory_space<vmem>>
    tpu.enqueue_dma source(%dma_start3A_366 : memref<16x1024xf32, #tpu.memory_space<vmem>>) target(%dma_start3A_362 : memref<16x1024xf32, #tpu.memory_space<hbm>>) target_semaphore(%arg13 : memref<!tpu.dma_semaphore, #tpu.memory_space<semaphore_mem>>)
    %dma_wait3A_367 = arith.constant 61 : i32
    %dma_wait3A_368 = arith.constant 1 : i32
    %dma_wait3A_369 = arith.constant 0 : i32
    %dma_wait3A_370 = arith.constant 0 : i32
    %dma_wait3A_371 = tpu.memref_slice %arg6[%dma_wait3A_368, %dma_wait3A_369, %dma_wait3A_370] : memref<6x16x1024xf32, #tpu.memory_space<vmem>> -> memref<1x16x1024xf32, #tpu.memory_space<vmem>>
    %dma_wait3A_372 = tpu.memref_squeeze %dma_wait3A_371 : memref<1x16x1024xf32, #tpu.memory_space<vmem>> -> memref<16x1024xf32, #tpu.memory_space<vmem>>
    %dma_wait3A_373 = arith.constant 0 : i32
    %dma_wait3A_374 = tpu.memref_slice %arg5[%dma_wait3A_367, %dma_wait3A_373] : memref<64x16xi32, #tpu.memory_space<vmem>> -> memref<1x16xi32, #tpu.memory_space<vmem>>
    %dma_wait3A_375 = tpu.memref_squeeze %dma_wait3A_374 : memref<1x16xi32, #tpu.memory_space<vmem>> -> memref<16xi32, #tpu.memory_space<vmem>>
    %dma_wait3A_376 = arith.constant 0 : i32
    %dma_wait3A_377 = arith.constant 0 : i32
    %dma_wait3A_378 = tpu.memref_slice %arg3[%dma_wait3A_376, %dma_wait3A_377] : memref<8192x1024xf32, #tpu.memory_space<hbm>> -> memref<8192x1024xf32, #tpu.memory_space<hbm>>
    tpu.wait_indirect_dma semaphore(%arg8 : memref<!tpu.dma_semaphore, #tpu.memory_space<semaphore_mem>>) src(%dma_wait3A_378 : memref<8192x1024xf32, #tpu.memory_space<hbm>>) dst(%dma_wait3A_372 : memref<16x1024xf32, #tpu.memory_space<vmem>>)
    %add3A_379 = arith.constant 976 : i32
    %add3A_380 = arith.addi %mul3A_2, %add3A_379 : i32
    %dma_start3A_381 = arith.constant 1 : i32
    %dma_start3A_382 = arith.constant 0 : i32
    %dma_start3A_383 = arith.constant 0 : i32
    %dma_start3A_384 = tpu.memref_slice %arg6[%dma_start3A_381, %dma_start3A_382, %dma_start3A_383] : memref<6x16x1024xf32, #tpu.memory_space<vmem>> -> memref<1x16x1024xf32, #tpu.memory_space<vmem>>
    %dma_start3A_385 = tpu.memref_squeeze %dma_start3A_384 : memref<1x16x1024xf32, #tpu.memory_space<vmem>> -> memref<16x1024xf32, #tpu.memory_space<vmem>>
    %dma_start3A_386 = arith.constant 0 : i32
    %dma_start3A_387 = tpu.memref_slice %arg4[%add3A_380, %dma_start3A_386] : memref<32768x1024xf32, #tpu.memory_space<hbm>> -> memref<16x1024xf32, #tpu.memory_space<hbm>>
    %dma_start3A_388 = arith.constant 0 : i32
    %dma_start3A_389 = tpu.memref_slice %arg4[%add3A_380, %dma_start3A_388] : memref<32768x1024xf32, #tpu.memory_space<hbm>> -> memref<16x1024xf32, #tpu.memory_space<hbm>>
    %dma_start3A_390 = arith.constant 0 : i32
    %dma_start3A_391 = arith.constant 0 : i32
    %dma_start3A_392 = tpu.memref_slice %arg6[%dma_start3A_381, %dma_start3A_390, %dma_start3A_391] : memref<6x16x1024xf32, #tpu.memory_space<vmem>> -> memref<1x16x1024xf32, #tpu.memory_space<vmem>>
    %dma_start3A_393 = tpu.memref_squeeze %dma_start3A_392 : memref<1x16x1024xf32, #tpu.memory_space<vmem>> -> memref<16x1024xf32, #tpu.memory_space<vmem>>
    tpu.enqueue_dma source(%dma_start3A_393 : memref<16x1024xf32, #tpu.memory_space<vmem>>) target(%dma_start3A_389 : memref<16x1024xf32, #tpu.memory_space<hbm>>) target_semaphore(%arg14 : memref<!tpu.dma_semaphore, #tpu.memory_space<semaphore_mem>>)
    %dma_wait3A_394 = arith.constant 62 : i32
    %dma_wait3A_395 = arith.constant 2 : i32
    %dma_wait3A_396 = arith.constant 0 : i32
    %dma_wait3A_397 = arith.constant 0 : i32
    %dma_wait3A_398 = tpu.memref_slice %arg6[%dma_wait3A_395, %dma_wait3A_396, %dma_wait3A_397] : memref<6x16x1024xf32, #tpu.memory_space<vmem>> -> memref<1x16x1024xf32, #tpu.memory_space<vmem>>
    %dma_wait3A_399 = tpu.memref_squeeze %dma_wait3A_398 : memref<1x16x1024xf32, #tpu.memory_space<vmem>> -> memref<16x1024xf32, #tpu.memory_space<vmem>>
    %dma_wait3A_400 = arith.constant 0 : i32
    %dma_wait3A_401 = tpu.memref_slice %arg5[%dma_wait3A_394, %dma_wait3A_400] : memref<64x16xi32, #tpu.memory_space<vmem>> -> memref<1x16xi32, #tpu.memory_space<vmem>>
    %dma_wait3A_402 = tpu.memref_squeeze %dma_wait3A_401 : memref<1x16xi32, #tpu.memory_space<vmem>> -> memref<16xi32, #tpu.memory_space<vmem>>
    %dma_wait3A_403 = arith.constant 0 : i32
    %dma_wait3A_404 = arith.constant 0 : i32
    %dma_wait3A_405 = tpu.memref_slice %arg3[%dma_wait3A_403, %dma_wait3A_404] : memref<8192x1024xf32, #tpu.memory_space<hbm>> -> memref<8192x1024xf32, #tpu.memory_space<hbm>>
    tpu.wait_indirect_dma semaphore(%arg9 : memref<!tpu.dma_semaphore, #tpu.memory_space<semaphore_mem>>) src(%dma_wait3A_405 : memref<8192x1024xf32, #tpu.memory_space<hbm>>) dst(%dma_wait3A_399 : memref<16x1024xf32, #tpu.memory_space<vmem>>)
    %add3A_406 = arith.constant 992 : i32
    %add3A_407 = arith.addi %mul3A_2, %add3A_406 : i32
    %dma_start3A_408 = arith.constant 2 : i32
    %dma_start3A_409 = arith.constant 0 : i32
    %dma_start3A_410 = arith.constant 0 : i32
    %dma_start3A_411 = tpu.memref_slice %arg6[%dma_start3A_408, %dma_start3A_409, %dma_start3A_410] : memref<6x16x1024xf32, #tpu.memory_space<vmem>> -> memref<1x16x1024xf32, #tpu.memory_space<vmem>>
    %dma_start3A_412 = tpu.memref_squeeze %dma_start3A_411 : memref<1x16x1024xf32, #tpu.memory_space<vmem>> -> memref<16x1024xf32, #tpu.memory_space<vmem>>
    %dma_start3A_413 = arith.constant 0 : i32
    %dma_start3A_414 = tpu.memref_slice %arg4[%add3A_407, %dma_start3A_413] : memref<32768x1024xf32, #tpu.memory_space<hbm>> -> memref<16x1024xf32, #tpu.memory_space<hbm>>
    %dma_start3A_415 = arith.constant 0 : i32
    %dma_start3A_416 = tpu.memref_slice %arg4[%add3A_407, %dma_start3A_415] : memref<32768x1024xf32, #tpu.memory_space<hbm>> -> memref<16x1024xf32, #tpu.memory_space<hbm>>
    %dma_start3A_417 = arith.constant 0 : i32
    %dma_start3A_418 = arith.constant 0 : i32
    %dma_start3A_419 = tpu.memref_slice %arg6[%dma_start3A_408, %dma_start3A_417, %dma_start3A_418] : memref<6x16x1024xf32, #tpu.memory_space<vmem>> -> memref<1x16x1024xf32, #tpu.memory_space<vmem>>
    %dma_start3A_420 = tpu.memref_squeeze %dma_start3A_419 : memref<1x16x1024xf32, #tpu.memory_space<vmem>> -> memref<16x1024xf32, #tpu.memory_space<vmem>>
    tpu.enqueue_dma source(%dma_start3A_420 : memref<16x1024xf32, #tpu.memory_space<vmem>>) target(%dma_start3A_416 : memref<16x1024xf32, #tpu.memory_space<hbm>>) target_semaphore(%arg15 : memref<!tpu.dma_semaphore, #tpu.memory_space<semaphore_mem>>)
    %dma_wait3A_421 = arith.constant 63 : i32
    %dma_wait3A_422 = arith.constant 3 : i32
    %dma_wait3A_423 = arith.constant 0 : i32
    %dma_wait3A_424 = arith.constant 0 : i32
    %dma_wait3A_425 = tpu.memref_slice %arg6[%dma_wait3A_422, %dma_wait3A_423, %dma_wait3A_424] : memref<6x16x1024xf32, #tpu.memory_space<vmem>> -> memref<1x16x1024xf32, #tpu.memory_space<vmem>>
    %dma_wait3A_426 = tpu.memref_squeeze %dma_wait3A_425 : memref<1x16x1024xf32, #tpu.memory_space<vmem>> -> memref<16x1024xf32, #tpu.memory_space<vmem>>
    %dma_wait3A_427 = arith.constant 0 : i32
    %dma_wait3A_428 = tpu.memref_slice %arg5[%dma_wait3A_421, %dma_wait3A_427] : memref<64x16xi32, #tpu.memory_space<vmem>> -> memref<1x16xi32, #tpu.memory_space<vmem>>
    %dma_wait3A_429 = tpu.memref_squeeze %dma_wait3A_428 : memref<1x16xi32, #tpu.memory_space<vmem>> -> memref<16xi32, #tpu.memory_space<vmem>>
    %dma_wait3A_430 = arith.constant 0 : i32
    %dma_wait3A_431 = arith.constant 0 : i32
    %dma_wait3A_432 = tpu.memref_slice %arg3[%dma_wait3A_430, %dma_wait3A_431] : memref<8192x1024xf32, #tpu.memory_space<hbm>> -> memref<8192x1024xf32, #tpu.memory_space<hbm>>
    tpu.wait_indirect_dma semaphore(%arg10 : memref<!tpu.dma_semaphore, #tpu.memory_space<semaphore_mem>>) src(%dma_wait3A_432 : memref<8192x1024xf32, #tpu.memory_space<hbm>>) dst(%dma_wait3A_426 : memref<16x1024xf32, #tpu.memory_space<vmem>>)
    %add3A_433 = arith.constant 1008 : i32
    %add3A_434 = arith.addi %mul3A_2, %add3A_433 : i32
    %dma_start3A_435 = arith.constant 3 : i32
    %dma_start3A_436 = arith.constant 0 : i32
    %dma_start3A_437 = arith.constant 0 : i32
    %dma_start3A_438 = tpu.memref_slice %arg6[%dma_start3A_435, %dma_start3A_436, %dma_start3A_437] : memref<6x16x1024xf32, #tpu.memory_space<vmem>> -> memref<1x16x1024xf32, #tpu.memory_space<vmem>>
    %dma_start3A_439 = tpu.memref_squeeze %dma_start3A_438 : memref<1x16x1024xf32, #tpu.memory_space<vmem>> -> memref<16x1024xf32, #tpu.memory_space<vmem>>
    %dma_start3A_440 = arith.constant 0 : i32
    %dma_start3A_441 = tpu.memref_slice %arg4[%add3A_434, %dma_start3A_440] : memref<32768x1024xf32, #tpu.memory_space<hbm>> -> memref<16x1024xf32, #tpu.memory_space<hbm>>
    %dma_start3A_442 = arith.constant 0 : i32
    %dma_start3A_443 = tpu.memref_slice %arg4[%add3A_434, %dma_start3A_442] : memref<32768x1024xf32, #tpu.memory_space<hbm>> -> memref<16x1024xf32, #tpu.memory_space<hbm>>
    %dma_start3A_444 = arith.constant 0 : i32
    %dma_start3A_445 = arith.constant 0 : i32
    %dma_start3A_446 = tpu.memref_slice %arg6[%dma_start3A_435, %dma_start3A_444, %dma_start3A_445] : memref<6x16x1024xf32, #tpu.memory_space<vmem>> -> memref<1x16x1024xf32, #tpu.memory_space<vmem>>
    %dma_start3A_447 = tpu.memref_squeeze %dma_start3A_446 : memref<1x16x1024xf32, #tpu.memory_space<vmem>> -> memref<16x1024xf32, #tpu.memory_space<vmem>>
    tpu.enqueue_dma source(%dma_start3A_447 : memref<16x1024xf32, #tpu.memory_space<vmem>>) target(%dma_start3A_443 : memref<16x1024xf32, #tpu.memory_space<hbm>>) target_semaphore(%arg16 : memref<!tpu.dma_semaphore, #tpu.memory_space<semaphore_mem>>)
    %dma_wait3A_448 = arith.constant 0 : i32
    %dma_wait3A_449 = arith.constant 0 : i32
    %dma_wait3A_450 = arith.constant 0 : i32
    %dma_wait3A_451 = tpu.memref_slice %arg6[%dma_wait3A_448, %dma_wait3A_449, %dma_wait3A_450] : memref<6x16x1024xf32, #tpu.memory_space<vmem>> -> memref<1x16x1024xf32, #tpu.memory_space<vmem>>
    %dma_wait3A_452 = tpu.memref_squeeze %dma_wait3A_451 : memref<1x16x1024xf32, #tpu.memory_space<vmem>> -> memref<16x1024xf32, #tpu.memory_space<vmem>>
    %dma_wait3A_453 = arith.constant 0 : i32
    %dma_wait3A_454 = tpu.memref_slice %arg4[%mul3A_2, %dma_wait3A_453] : memref<32768x1024xf32, #tpu.memory_space<hbm>> -> memref<16x1024xf32, #tpu.memory_space<hbm>>
    %dma_wait3A_455 = arith.constant 0 : i32
    %dma_wait3A_456 = tpu.memref_slice %arg4[%mul3A_2, %dma_wait3A_455] : memref<32768x1024xf32, #tpu.memory_space<hbm>> -> memref<16x1024xf32, #tpu.memory_space<hbm>>
    %dma_wait3A_457 = arith.constant 0 : i32
    %dma_wait3A_458 = arith.constant 0 : i32
    %dma_wait3A_459 = tpu.memref_slice %arg6[%dma_wait3A_448, %dma_wait3A_457, %dma_wait3A_458] : memref<6x16x1024xf32, #tpu.memory_space<vmem>> -> memref<1x16x1024xf32, #tpu.memory_space<vmem>>
    %dma_wait3A_460 = tpu.memref_squeeze %dma_wait3A_459 : memref<1x16x1024xf32, #tpu.memory_space<vmem>> -> memref<16x1024xf32, #tpu.memory_space<vmem>>
    tpu.wait_dma2 semaphore(%arg13 : memref<!tpu.dma_semaphore, #tpu.memory_space<semaphore_mem>>) src(%dma_wait3A_460 : memref<16x1024xf32, #tpu.memory_space<vmem>>) dst(%dma_wait3A_456 : memref<16x1024xf32, #tpu.memory_space<hbm>>)
    %dma_wait3A_461 = arith.constant 1 : i32
    %dma_wait3A_462 = arith.constant 0 : i32
    %dma_wait3A_463 = arith.constant 0 : i32
    %dma_wait3A_464 = tpu.memref_slice %arg6[%dma_wait3A_461, %dma_wait3A_462, %dma_wait3A_463] : memref<6x16x1024xf32, #tpu.memory_space<vmem>> -> memref<1x16x1024xf32, #tpu.memory_space<vmem>>
    %dma_wait3A_465 = tpu.memref_squeeze %dma_wait3A_464 : memref<1x16x1024xf32, #tpu.memory_space<vmem>> -> memref<16x1024xf32, #tpu.memory_space<vmem>>
    %dma_wait3A_466 = arith.constant 0 : i32
    %dma_wait3A_467 = tpu.memref_slice %arg4[%mul3A_2, %dma_wait3A_466] : memref<32768x1024xf32, #tpu.memory_space<hbm>> -> memref<16x1024xf32, #tpu.memory_space<hbm>>
    %dma_wait3A_468 = arith.constant 0 : i32
    %dma_wait3A_469 = tpu.memref_slice %arg4[%mul3A_2, %dma_wait3A_468] : memref<32768x1024xf32, #tpu.memory_space<hbm>> -> memref<16x1024xf32, #tpu.memory_space<hbm>>
    %dma_wait3A_470 = arith.constant 0 : i32
    %dma_wait3A_471 = arith.constant 0 : i32
    %dma_wait3A_472 = tpu.memref_slice %arg6[%dma_wait3A_461, %dma_wait3A_470, %dma_wait3A_471] : memref<6x16x1024xf32, #tpu.memory_space<vmem>> -> memref<1x16x1024xf32, #tpu.memory_space<vmem>>
    %dma_wait3A_473 = tpu.memref_squeeze %dma_wait3A_472 : memref<1x16x1024xf32, #tpu.memory_space<vmem>> -> memref<16x1024xf32, #tpu.memory_space<vmem>>
    tpu.wait_dma2 semaphore(%arg14 : memref<!tpu.dma_semaphore, #tpu.memory_space<semaphore_mem>>) src(%dma_wait3A_473 : memref<16x1024xf32, #tpu.memory_space<vmem>>) dst(%dma_wait3A_469 : memref<16x1024xf32, #tpu.memory_space<hbm>>)
    %dma_wait3A_474 = arith.constant 2 : i32
    %dma_wait3A_475 = arith.constant 0 : i32
    %dma_wait3A_476 = arith.constant 0 : i32
    %dma_wait3A_477 = tpu.memref_slice %arg6[%dma_wait3A_474, %dma_wait3A_475, %dma_wait3A_476] : memref<6x16x1024xf32, #tpu.memory_space<vmem>> -> memref<1x16x1024xf32, #tpu.memory_space<vmem>>
    %dma_wait3A_478 = tpu.memref_squeeze %dma_wait3A_477 : memref<1x16x1024xf32, #tpu.memory_space<vmem>> -> memref<16x1024xf32, #tpu.memory_space<vmem>>
    %dma_wait3A_479 = arith.constant 0 : i32
    %dma_wait3A_480 = tpu.memref_slice %arg4[%mul3A_2, %dma_wait3A_479] : memref<32768x1024xf32, #tpu.memory_space<hbm>> -> memref<16x1024xf32, #tpu.memory_space<hbm>>
    %dma_wait3A_481 = arith.constant 0 : i32
    %dma_wait3A_482 = tpu.memref_slice %arg4[%mul3A_2, %dma_wait3A_481] : memref<32768x1024xf32, #tpu.memory_space<hbm>> -> memref<16x1024xf32, #tpu.memory_space<hbm>>
    %dma_wait3A_483 = arith.constant 0 : i32
    %dma_wait3A_484 = arith.constant 0 : i32
    %dma_wait3A_485 = tpu.memref_slice %arg6[%dma_wait3A_474, %dma_wait3A_483, %dma_wait3A_484] : memref<6x16x1024xf32, #tpu.memory_space<vmem>> -> memref<1x16x1024xf32, #tpu.memory_space<vmem>>
    %dma_wait3A_486 = tpu.memref_squeeze %dma_wait3A_485 : memref<1x16x1024xf32, #tpu.memory_space<vmem>> -> memref<16x1024xf32, #tpu.memory_space<vmem>>
    tpu.wait_dma2 semaphore(%arg15 : memref<!tpu.dma_semaphore, #tpu.memory_space<semaphore_mem>>) src(%dma_wait3A_486 : memref<16x1024xf32, #tpu.memory_space<vmem>>) dst(%dma_wait3A_482 : memref<16x1024xf32, #tpu.memory_space<hbm>>)
    %dma_wait3A_487 = arith.constant 3 : i32
    %dma_wait3A_488 = arith.constant 0 : i32
    %dma_wait3A_489 = arith.constant 0 : i32
    %dma_wait3A_490 = tpu.memref_slice %arg6[%dma_wait3A_487, %dma_wait3A_488, %dma_wait3A_489] : memref<6x16x1024xf32, #tpu.memory_space<vmem>> -> memref<1x16x1024xf32, #tpu.memory_space<vmem>>
    %dma_wait3A_491 = tpu.memref_squeeze %dma_wait3A_490 : memref<1x16x1024xf32, #tpu.memory_space<vmem>> -> memref<16x1024xf32, #tpu.memory_space<vmem>>
    %dma_wait3A_492 = arith.constant 0 : i32
    %dma_wait3A_493 = tpu.memref_slice %arg4[%mul3A_2, %dma_wait3A_492] : memref<32768x1024xf32, #tpu.memory_space<hbm>> -> memref<16x1024xf32, #tpu.memory_space<hbm>>
    %dma_wait3A_494 = arith.constant 0 : i32
    %dma_wait3A_495 = tpu.memref_slice %arg4[%mul3A_2, %dma_wait3A_494] : memref<32768x1024xf32, #tpu.memory_space<hbm>> -> memref<16x1024xf32, #tpu.memory_space<hbm>>
    %dma_wait3A_496 = arith.constant 0 : i32
    %dma_wait3A_497 = arith.constant 0 : i32
    %dma_wait3A_498 = tpu.memref_slice %arg6[%dma_wait3A_487, %dma_wait3A_496, %dma_wait3A_497] : memref<6x16x1024xf32, #tpu.memory_space<vmem>> -> memref<1x16x1024xf32, #tpu.memory_space<vmem>>
    %dma_wait3A_499 = tpu.memref_squeeze %dma_wait3A_498 : memref<1x16x1024xf32, #tpu.memory_space<vmem>> -> memref<16x1024xf32, #tpu.memory_space<vmem>>
    tpu.wait_dma2 semaphore(%arg16 : memref<!tpu.dma_semaphore, #tpu.memory_space<semaphore_mem>>) src(%dma_wait3A_499 : memref<16x1024xf32, #tpu.memory_space<vmem>>) dst(%dma_wait3A_495 : memref<16x1024xf32, #tpu.memory_space<hbm>>)
    %dma_wait3A_500 = arith.constant 4 : i32
    %dma_wait3A_501 = arith.constant 0 : i32
    %dma_wait3A_502 = arith.constant 0 : i32
    %dma_wait3A_503 = tpu.memref_slice %arg6[%dma_wait3A_500, %dma_wait3A_501, %dma_wait3A_502] : memref<6x16x1024xf32, #tpu.memory_space<vmem>> -> memref<1x16x1024xf32, #tpu.memory_space<vmem>>
    %dma_wait3A_504 = tpu.memref_squeeze %dma_wait3A_503 : memref<1x16x1024xf32, #tpu.memory_space<vmem>> -> memref<16x1024xf32, #tpu.memory_space<vmem>>
    %dma_wait3A_505 = arith.constant 0 : i32
    %dma_wait3A_506 = tpu.memref_slice %arg4[%mul3A_2, %dma_wait3A_505] : memref<32768x1024xf32, #tpu.memory_space<hbm>> -> memref<16x1024xf32, #tpu.memory_space<hbm>>
    %dma_wait3A_507 = arith.constant 0 : i32
    %dma_wait3A_508 = tpu.memref_slice %arg4[%mul3A_2, %dma_wait3A_507] : memref<32768x1024xf32, #tpu.memory_space<hbm>> -> memref<16x1024xf32, #tpu.memory_space<hbm>>
    %dma_wait3A_509 = arith.constant 0 : i32
    %dma_wait3A_510 = arith.constant 0 : i32
    %dma_wait3A_511 = tpu.memref_slice %arg6[%dma_wait3A_500, %dma_wait3A_509, %dma_wait3A_510] : memref<6x16x1024xf32, #tpu.memory_space<vmem>> -> memref<1x16x1024xf32, #tpu.memory_space<vmem>>
    %dma_wait3A_512 = tpu.memref_squeeze %dma_wait3A_511 : memref<1x16x1024xf32, #tpu.memory_space<vmem>> -> memref<16x1024xf32, #tpu.memory_space<vmem>>
    tpu.wait_dma2 semaphore(%arg17 : memref<!tpu.dma_semaphore, #tpu.memory_space<semaphore_mem>>) src(%dma_wait3A_512 : memref<16x1024xf32, #tpu.memory_space<vmem>>) dst(%dma_wait3A_508 : memref<16x1024xf32, #tpu.memory_space<hbm>>)
    %dma_wait3A_513 = arith.constant 5 : i32
    %dma_wait3A_514 = arith.constant 0 : i32
    %dma_wait3A_515 = arith.constant 0 : i32
    %dma_wait3A_516 = tpu.memref_slice %arg6[%dma_wait3A_513, %dma_wait3A_514, %dma_wait3A_515] : memref<6x16x1024xf32, #tpu.memory_space<vmem>> -> memref<1x16x1024xf32, #tpu.memory_space<vmem>>
    %dma_wait3A_517 = tpu.memref_squeeze %dma_wait3A_516 : memref<1x16x1024xf32, #tpu.memory_space<vmem>> -> memref<16x1024xf32, #tpu.memory_space<vmem>>
    %dma_wait3A_518 = arith.constant 0 : i32
    %dma_wait3A_519 = tpu.memref_slice %arg4[%mul3A_2, %dma_wait3A_518] : memref<32768x1024xf32, #tpu.memory_space<hbm>> -> memref<16x1024xf32, #tpu.memory_space<hbm>>
    %dma_wait3A_520 = arith.constant 0 : i32
    %dma_wait3A_521 = tpu.memref_slice %arg4[%mul3A_2, %dma_wait3A_520] : memref<32768x1024xf32, #tpu.memory_space<hbm>> -> memref<16x1024xf32, #tpu.memory_space<hbm>>
    %dma_wait3A_522 = arith.constant 0 : i32
    %dma_wait3A_523 = arith.constant 0 : i32
    %dma_wait3A_524 = tpu.memref_slice %arg6[%dma_wait3A_513, %dma_wait3A_522, %dma_wait3A_523] : memref<6x16x1024xf32, #tpu.memory_space<vmem>> -> memref<1x16x1024xf32, #tpu.memory_space<vmem>>
    %dma_wait3A_525 = tpu.memref_squeeze %dma_wait3A_524 : memref<1x16x1024xf32, #tpu.memory_space<vmem>> -> memref<16x1024xf32, #tpu.memory_space<vmem>>
    tpu.wait_dma2 semaphore(%arg18 : memref<!tpu.dma_semaphore, #tpu.memory_space<semaphore_mem>>) src(%dma_wait3A_525 : memref<16x1024xf32, #tpu.memory_space<vmem>>) dst(%dma_wait3A_521 : memref<16x1024xf32, #tpu.memory_space<hbm>>)
    return
  }
}

</mosaic_0001>

<sc_bundles>
// kernel: kernel.3.cloned.1.call-start
scs
__scs_entry_jumppad:
0x0: {  	(pc) =	sbr.rel $0x88, $3  }
0x1: {  	(tag) =	ssettag $0x0;
	lr =	simm.s32 $0x1  }
0x2: {  	[smem:$0x3F9F] =	sst lr;
	_ =	strace $0xD0000000  }
0x3: {  	_ = 	snop  }
0x4: {  	_ = 	snop  }
0x5: {  	_ = 	snop  }
0x6: {  	_ = 	snop  }
0x7: {  	_ = 	snop  }
__scs_overlays_trampoline_lowered:
0x8: {  	[smem:$0x3FAE] =	sst s0  }
0x9: {  	[smem:$0x3FAF] =	sst s1  }
0xa: {  	[smem:$0x3FB0] =	sst s2  }
0xb: {  	[smem:$0x3FB1] =	sst s3  }
0xc: {  	[smem:$0x3FB2] =	sst s4  }
0xd: {  	[smem:$0x3FB3] =	sst s5  }
0xe: {  	[smem:$0x3FB4] =	sst s6  }
0xf: {  	[smem:$0x3FB5] =	sst s7  }
0x10: {  	[smem:$0x3FB6] =	sst s8  }
0x11: {  	[smem:$0x3FB7] =	sst s9;
	s0 =	simm.s32 @!p0 $0x0  }
0x12: {  	s1 =	sld [smem:$0x3F9D];
	s0 =	simm.s32 @p0 $0x1  }
0x13: {  	[smem:$0x3FB8] =	sst s0;
	s0 =	simm.s32 @!p1 $0x0  }
0x14: {  	s2 =	sld [smem:$0x3F9C];
	s0 =	simm.s32 @p1 $0x1  }
0x15: {  	[smem:$0x3FB9] =	sst s0;
	s0 =	simm.s32 @!p2 $0x0  }
0x16: {  	s3 =	sld [smem:$0x3FDB];
	s0 =	simm.s32 @p2 $0x1  }
0x17: {  	s4 =	simm.s32 $0x1BF5;
	[smem:$0x3FBB] =	sst s0  }
0x18: {  	s0 =	sld [smem:$0x3F9E];
	_ =	swait.ge [sflag:s4], $0x0  }
0x19: {  	s7 =	sld [smem:$0x3F9F]  }
0x1a: {  	s8 =	sadd.s32 $0xFFFFE003, lr  }
0x1b: {  	s9 =	sadd.s32 $0xFFFFFEF7, lr;
	s5 =	simm.s32 $0xFFFFFFFF;
	p2 =	slt.u32 s8, $0xFFFFF086  }
0x1c: {  	p1 =	slt.u32 s9, $0xF7A;
	s5 =	simm.s32 @!p2 $0x0  }
0x1d: {  	s5 =	simm.s32 @p1 $0x1;
	p0 =	seq.s32 s7, s2  }
0x1e: {  	s7 =	smul.u32 @!p0 $0xF7A, s2;
	p2 =	seq.s32 @!p0 s5, $0x0  }
0x1f: {  	s9 =	smul.u32 $0xF7A, s1;
	s8 =	simm.s32 @!p0 $0x1BF5;
	p2 =	por !p2, p0  }
0x20: {  	[sflag:s8] =	ssyncset.s32 @!p0 $0xFFFFF086;
	s6 =	sadd.s32 @!p0 s3, s7;
	s7 =	simm.s32 @!p0 $0x108  }
0x21: {  	s3 =	sadd.s32 s3, s9;
	s6 =	sadd.s32 @!p0 $0x88, s6;
	s7 =	simm.s32 @p2 $0x1082  }
0x22: {  	[simem:s7], [sflag:s8] =	dma.local @!p0 [hbm:s6], $0xF7A  }
0x23: {  	s9 =	sor.u32 $0xD0000000, s2;
	s6 =	simm.s32 $0x108;
	_ =	swait.ge @!p0 [sflag:s8], $0x0  }
0x24: {  	s3 =	sadd.s32 $0x88, s3;
	s6 =	simm.s32 @!p1 $0x1082;
	[sflag:s4] =	ssyncset.s32 $0xFFFFF086  }
0x25: {  	[simem:s6], [sflag:s4] =	dma.local [hbm:s3], $0xF7A  }
0x26: {  	[smem:$0x3F9F] =	sst s1;
	(tag) =	ssettag s2;
	_ =	strace s9  }
0x27: {  	s1 =	sld [smem:$0x3FAF]  }
0x28: {  	s2 =	sld [smem:$0x3FB0]  }
0x29: {  	s4 =	sld [smem:$0x3FB2]  }
0x2a: {  	p0 =	seq.s32 s5, $0x0;
	s5 =	sld [smem:$0x3FB3]  }
0x2b: {  	s6 =	sld [smem:$0x3FB4]  }
0x2c: {  	s7 =	sld [smem:$0x3FB5]  }
0x2d: {  	s3 =	simm.s32 $0x108;
	s8 =	sld [smem:$0x3FB6]  }
0x2e: {  	s3 =	simm.s32 @!p0 $0x1082;
	s9 =	sld [smem:$0x3FB7]  }
0x2f: {  	lr =	sadd.s32 s0, s3;
	s0 =	sld [smem:$0x3FAE]  }
0x30: {  	s3 =	sld [smem:$0x3FB1]  }
0x31: {  	[smem:$0x3FBA] =	sst s10  }
0x32: {  	s10 =	sld [smem:$0x3FB8];
	_ =	sdelay $0x3  }
0x33: {  	p0 =	seq.s32 s10, $0x1;
	s10 =	sld [smem:$0x3FBA];
	_ =	sdelay $0x3  }
0x34: {  	[smem:$0x3FBA] =	sst s10  }
0x35: {  	s10 =	sld [smem:$0x3FB9];
	_ =	sdelay $0x3  }
0x36: {  	p1 =	seq.s32 s10, $0x1;
	s10 =	sld [smem:$0x3FBA];
	_ =	sdelay $0x3  }
0x37: {  	[smem:$0x3FBA] =	sst s10  }
0x38: {  	s10 =	sld [smem:$0x3FBB]  }
0x39: {  	_ = 	snop;
	(pc) =	sbr.ind lr, $3  }
0x3a: {  	_ = 	snop  }
0x3b: {  	_ = 	snop  }
0x3c: {  	p2 =	seq.s32 s10, $0x1;
	s10 =	sld [smem:$0x3FBA]  }
0x3d: {  	_ =	shalt  }
0x3e: {  	_ =	shalt  }
0x3f: {  	_ =	shalt  }
0x40: {  	_ =	shalt  }
0x41: {  	_ =	shalt  }
0x42: {  	_ =	shalt  }
0x43: {  	_ =	shalt  }
0x44: {  	_ =	shalt  }
0x45: {  	_ =	shalt  }
0x46: {  	_ =	shalt  }
0x47: {  	_ =	shalt  }
0x48: {  	_ =	shalt  }
0x49: {  	_ =	shalt  }
0x4a: {  	_ =	shalt  }
0x4b: {  	_ =	shalt  }
0x4c: {  	_ =	shalt  }
0x4d: {  	_ =	shalt  }
0x4e: {  	_ =	shalt  }
0x4f: {  	_ =	shalt  }
0x50: {  	_ =	shalt  }
0x51: {  	_ =	shalt  }
0x52: {  	_ =	shalt  }
0x53: {  	_ =	shalt  }
0x54: {  	_ =	shalt  }
0x55: {  	_ =	shalt  }
0x56: {  	_ =	shalt  }
0x57: {  	_ =	shalt  }
0x58: {  	_ =	shalt  }
0x59: {  	_ =	shalt  }
0x5a: {  	_ =	shalt  }
0x5b: {  	_ =	shalt  }
0x5c: {  	_ =	shalt  }
0x5d: {  	_ =	shalt  }
0x5e: {  	_ =	shalt  }
0x5f: {  	_ =	shalt  }
0x60: {  	_ =	shalt  }
0x61: {  	_ =	shalt  }
0x62: {  	_ =	shalt  }
0x63: {  	_ =	shalt  }
0x64: {  	_ =	shalt  }
0x65: {  	_ =	shalt  }
0x66: {  	_ =	shalt  }
0x67: {  	_ =	shalt  }
0x68: {  	_ =	shalt  }
0x69: {  	_ =	shalt  }
0x6a: {  	_ =	shalt  }
0x6b: {  	_ =	shalt  }
0x6c: {  	_ =	shalt  }
0x6d: {  	_ =	shalt  }
0x6e: {  	_ =	shalt  }
0x6f: {  	_ =	shalt  }
0x70: {  	_ =	shalt  }
0x71: {  	_ =	shalt  }
0x72: {  	_ =	shalt  }
0x73: {  	_ =	shalt  }
0x74: {  	_ =	shalt  }
0x75: {  	_ =	shalt  }
0x76: {  	_ =	shalt  }
0x77: {  	_ =	shalt  }
0x78: {  	_ =	shalt  }
0x79: {  	_ =	shalt  }
0x7a: {  	_ =	shalt  }
0x7b: {  	_ =	shalt  }
0x7c: {  	_ =	shalt  }
0x7d: {  	_ =	shalt  }
0x7e: {  	_ =	shalt  }
0x7f: {  	_ =	shalt  }
0x80: {  	_ =	shalt  }
0x81: {  	_ =	shalt  }
0x82: {  	_ =	shalt  }
0x83: {  	_ =	shalt  }
0x84: {  	_ =	shalt  }
0x85: {  	_ =	shalt  }
0x86: {  	_ =	shalt  }
0x87: {  	_ =	shalt  }
.Lfunc_end0:
.L_simem_size_0:
called_computation_lowered:
.L_overlay_start_0:
0x88: {  	s2 =	sld [smem:$0x3FD9]  }
0x89: {  	s3 =	sld [smem:$0x3FFE];
	_ =	sdelay $0x1  }
0x8a: {  	s1 =	srdreg.scid  }
0x8b: {  	s0 =	sand.u32 $0x1, s1  }
0x8c: {  	s17 =	sshll.u32 s0, $0xA;
	s2 =	sadd.s32 s3, s2  }
0x8d: {  	s2 =	sadd.s32 s2, s17  }
0x8e: {  	[smem:$0x3FC6] =	sst s2  }
0x8f: {  	_ = 	snop  }
0x90: {  	s2 =	sld [smem:$0x3FC8]  }
0x91: {  	s18 =	sld [smem:$0x3FD0];
	(tm) =	ssettm $0x1  }
0x92: {  	s4 =	sld [smem:$0x3FFB];
	_ =	sdelay $0x3  }
0x93: {  	_ =	strace s4  }
0x94: {  	s4 =	sld [smem:$0x3FFC];
	_ =	sdelay $0x3  }
0x95: {  	_ =	strace s4  }
0x96: {  	s4 =	sld [smem:$0x3FFD];
	_ =	sdelay $0x3  }
0x97: {  	_ =	strace s4  }
0x98: {  	_ =	strace $0x8FFFFFFF  }
0x99: {  	s19 =	sld [smem:$0x3FDB];
	_ =	sdelay $0x1  }
0x9a: {  	s5 =	simm.s32 $_scs_section_size  }
0x9b: {  	s6 =	simm.s32 $_size__tile_overlayer_lowered;
	s7 =	simm.s32 $_tile_overlayer_lowered  }
0x9c: {  	s22 =	simm.s32 $0x1BFF;
	s21 =	sshll.u32 s7, $0x1;
	s4 =	sadd.s32 s5, s19  }
0x9d: {  	s8 =	simm.s32 $0x0;
	s20 =	sshll.u32 s6, $0x1;
	s6 =	sadd.s32 s21, s4  }
0x9e: {  	[timem:s8], [sflag:s22] =	dma.local [hbm:s6], s20  }
0x9f: {  	_ =	swait.ge [sflag:s22], s20  }
0xa0: {  	s5 =	ssub.s32 $0x0, s20;
	[sflag:s22] =	ssyncset.done $0x0  }
0xa1: {  	[sflag:s22] =	ssyncadd.s32 s5;
	_ =	sdelay $0x1  }
0xa2: {  	s23 =	simm.s32 $0x1B8B  }
0xa3: {  	_ =	swait.ge [sflag:s23], $0x1  }
0xa4: {  	[sflag:s23] =	ssyncset.done $0x0  }
0xa5: {  	s25 =	simm.s32 $0x1B8E;
	s24 =	sld [smem:$0x3FFE];
	[sflag:s23] =	ssyncadd.s32 $0xFFFFFFFF  }
0xa6: {  	s26 =	simm.s32 $execute0_lowered;
	[smem:$0x3FD2] =	sst s25  }
0xa7: {  	s6 =	sshll.u32 s26, $0x1;
	_ =	strace $0x80000046;
	[dreg:$0x1] =	wrdreg $0xFFFFFFFF  }
0xa8: {  	s28 =	simm.s32 $_size_execute0_lowered;
	s4 =	sadd.s32 s4, s6;
	[dreg:$0x0] =	wrdreg $0x0  }
0xa9: {  	s6 =	sshll.u32 s28, $0x1;
	[dreg:$0x2] =	wrdreg s4  }
0xaa: {  	[dreg:$0x3] =	wrdreg s6  }
0xab: {  	[dreg:$0x4] =	wrdreg $0xC0  }
0xac: {  	_ =	task [dreg:s8], $0x5FFFF  }
0xad: {  	[dreg:$0x1] =	wrdreg $0xFFFFFFFF  }
0xae: {  	[dreg:$0x0] =	wrdreg $0x60  }
0xaf: {  	[dreg:$0x2] =	wrdreg s24  }
0xb0: {  	[dreg:$0x3] =	wrdreg s2  }
0xb1: {  	[dreg:$0x4] =	wrdreg s18  }
0xb2: {  	[dreg:$0x5] =	wrdreg $0x9  }
0xb3: {  	_ =	task.clear_ibuf [dreg:s8], $0x6FFFF;
	_ =	strace $0x90000046  }
0xb4: {  	s29 =	simm.s32 $0x9;
	_ =	strace $0x80000048  }
0xb5: {  	_ =	swait.ge [sflag:s29], $0x1  }
0xb6: {  	[sflag:s29] =	ssyncadd.s32 $0xFFFFFFFF  }
0xb7: {  	_ =	strace $0x90000048  }
0xb8: {  	_ =	sfence  }
0xb9: {  	s30 =	sld [smem:$0x0];
	_ =	sdelay $0x2  }
0xba: {  	s31 =	sshll.u32 s1, $0xD;
	s1 =	sshrl.u32 s1, $0x2  }
0xbb: {  	s3 =	sand.u32 $0x4000, s31;
	s1 =	sadd.s32 s1, s30  }
0xbc: {  	s0 =	sor.u32 s3, s0;
	s1 =	sshll.u32 s1, $0x11  }
0xbd: {  	s0 =	sor.u32 s1, s0  }
0xbe: {  	s0 =	sadd.s32 $0x8F2B, s0  }
0xbf: {  	[sflag:s0] =	ssyncadd.remote.s32 $0x1  }
0xc0: {  	_ =	sfence.sel $0xFFFF  }
0xc1: {  	[dreg:$0x0] =	wrdreg $0xFFFFFFFF;
	(pc) =	sbr.abs _section_cstart, $3  }
0xc2: {  	[dreg:$0x1] =	wrdreg $0xFFFFFFFF  }
0xc3: {  	_ =	task.clear_ibuf [dreg:s8], $0x2FFFF;
	_ =	strace $0x9FFFFFFF  }
0xc4: {  	(tm) =	ssettm $0x7FFFFFFF  }
0xc5: {  	_ =	shalt  }
tec
execute0_lowered:
.L_overlay_start_1:
0x0: {  	(tag) =	ssettag $0x1  }
0x1: {  	s0 =	rddreg [dreg:$0x0]  }
0x2: {  	s2 =	rddreg [dreg:$0x1];
	s1 =	srdreg.scid  }
0x3: {  	s9 =	stileid.u32;
	s4 =	rddreg [dreg:$0x2]  }
0x4: {  	s3 =	simm.s32 $0x0;
	s28 =	simm.s32 $0x4800;
	s11 =	simm.s32 $0x5000  }
0x5: {  	s13 =	simm.s32 $0x6800;
	s29 =	simm.s32 $0x7800;
	s31 =	simm.s32 $0x8000  }
0x6: {  	s12 =	simm.s32 $0x1;
	s1 =	sand.u32 $0x1, s1;
	s5 =	sshll.u32 s9, $0x1  }
0x7: {  	s30 =	simm.s32 $0xB;
	[smem:$0x7FF] =	sst s3;
	s5 =	sor.u32 s1, s5  }
0x8: {  	s8 =	sadd.s32 $0x300, s2;
	s6 =	sshll.u32 s5, $0xA;
	s16 =	sshll.u32 s5, $0x11  }
0x9: {  	s23 =	sshll.u32 s9, $0x12;
	s0 =	sadd.s32 s6, s0;
	s10 =	sadd.s32 s4, s16  }
0xa: {  	_ =	strace $0x80000047;
	s0 =	sadd.s32 $0x400, s0;
	[dreg:$0x6] =	wrdreg s10  }
0xb: {  	s9 =	simm.s32 $0x8;
	s17 =	sadd.s32 $0x1000, s10;
	[dreg:$0x5] =	wrdreg s0  }
0xc: {  	s7 =	ssub.s32 $0x2, s1;
	s18 =	sadd.s32 $0x1800, s10;
	[dreg:$0x8] =	wrdreg s17  }
0xd: {  	s1 =	sshll.u32 s1, $0x11;
	s19 =	sadd.s32 $0x2000, s10;
	[dreg:$0x9] =	wrdreg s18  }
0xe: {  	s15 =	sshrl.u32 s7, $0x1;
	s20 =	sadd.s32 $0x1D800, s10;
	[dreg:$0xa] =	wrdreg s19  }
0xf: {  	s5 =	sadd.s32 $0x100, s2;
	s21 =	sadd.s32 $0x1E000, s10;
	[dreg:$0xb] =	wrdreg s20  }
0x10: {  	s7 =	ssub.s32 s7, s15;
	s22 =	sadd.s32 $0x1E800, s10;
	[dreg:$0xc] =	wrdreg s21  }
0x11: {  	s6 =	sadd.s32 $0x200, s2;
	s24 =	sadd.s32 $0x1F000, s10;
	[dreg:$0xd] =	wrdreg s22  }
0x12: {  	s15 =	simm.s32 $0x3000;
	s25 =	sadd.s32 $0x1F800, s10;
	[dreg:$0xe] =	wrdreg s24  }
0x13: {  	s16 =	simm.s32 $0x4000;
	s26 =	smax.u32 s7, $0x1;
	[dreg:$0xf] =	wrdreg s25  }
0x14: {  	s7 =	simm.s32 $0x7000;
	s0 =	sadd.s32 $0x800, s10;
	[dreg:$0x10] =	wrdreg s26  }
0x15: {  	s25 =	simm.s32 $0x2800;
	s20 =	simm.s32 $0x3800;
	s26 =	simm.s32 $0x5800  }
0x16: {  	s17 =	simm.s32 $0x2;
	s18 =	simm.s32 $0x3;
	s10 =	simm.s32 $0x4  }
0x17: {  	s19 =	simm.s32 $0x9;
	s21 =	simm.s32 $0x5;
	s22 =	simm.s32 $0xA  }
0x18: {  	v2 =	vlaneseq.u32;
	s24 =	simm.s32 $0xC;
	[dreg:$0x7] =	wrdreg s0;
	s0 =	sadd.s32 s23, s4  }
0x19: {  	vm0 =	vmmov $0xffff;
	v1 =	vshrl.u32 v2, $0x3;
	s4 =	simm.s32 $0x7;
	s23 =	simm.s32 $0x6;
	s0 =	sadd.s32 s1, s0  }
0x1a: {  	v0 =	vand.u32 $0x7, v2;
	v2 =	vor.u32 $0x8, v2;
	v1 =	vmul.u32 $0x8, v1;
	s1 =	simm.s32 $0x16000;
	[dreg:$0x4] =	wrdreg s0;
	s0 =	simm.s32 $0x0  }
.LBB2_1:
0x1b: {  	[dreg:$0x11] =	wrdreg s0  }
0x1c: {  	s14 =	rddreg [dreg:$0x5];
	s0 =	simm.s32 $0xD  }
0x1d: {  	[tilespmem:s3], [sflag:$0xD] =	stream.linear.gather [hbm4b:s14+s3], $0x2000, $0x38;
	[tilespmem:$0x1A000] =	vst v63  }
0x1e: {  	_ =	swait.ge [sflag:s0], $0x2000  }
0x1f: {  	[sflag:s0] =	ssyncset.done $0x0  }
0x20: {  	[sflag:s0] =	ssyncadd.s32 $0xFFFFE000  }
0x21: {  	v3 =	vld [tilespmem:$0x0];
	_ =	sdelay $0x4  }
0x22: {  	v4 =	vshll.u32 v3, $0x3  }
0x23: {  	v3 =	vand.u32 $0x7, v3;
	v4 =	vand.u32 $0xFFFFFFC0, v4  }
0x24: {  	v3 =	vor.u32 v3, v4  }
0x25: {  	v4 =	vperm.xlane v3, v0;
	_ =	sdelay $0x1  }
0x26: {  	v4 =	vadd.s32 v1, v4;
	_ =	sdelay $0x3  }
0x27: {  	s14 =	simm.s32 $0x2000  }
0x28: {  	[tilespmem:s14], [sflag:$0x1] =	stream.indirect_vreg.gather [hbm4b:s2+s3], $0x80, v4, vm0, $0xb8;
	[tilespmem:$0x1A000] =	vst v63  }
0x29: {  	v3 =	vperm.xlane v3, v2  }
0x2a: {  	[tilespmem:s25], [sflag:$0x1] =	stream.indirect_vreg.gather [hbm4b:s5+s3], $0x80, v4, vm0, $0xb8;
	[tilespmem:$0x1A000] =	vst v63  }
0x2b: {  	v3 =	vadd.s32 v1, v3  }
0x2c: {  	[tilespmem:s15], [sflag:$0x1] =	stream.indirect_vreg.gather [hbm4b:s6+s3], $0x80, v4, vm0, $0xb8;
	[tilespmem:$0x1A000] =	vst v63  }
0x2d: {  	_ = 	snop  }
0x2e: {  	[tilespmem:s20], [sflag:$0x1] =	stream.indirect_vreg.gather [hbm4b:s8+s3], $0x80, v4, vm0, $0xb8;
	[tilespmem:$0x1A000] =	vst v63  }
0x2f: {  	_ = 	snop  }
0x30: {  	[tilespmem:s16], [sflag:$0x1] =	stream.indirect_vreg.gather [hbm4b:s2+s3], $0x80, v3, vm0, $0xb8;
	[tilespmem:$0x1A000] =	vst v63  }
0x31: {  	_ = 	snop  }
0x32: {  	[tilespmem:s28], [sflag:$0x1] =	stream.indirect_vreg.gather [hbm4b:s5+s3], $0x80, v3, vm0, $0xb8;
	[tilespmem:$0x1A000] =	vst v63  }
0x33: {  	_ = 	snop  }
0x34: {  	[tilespmem:s11], [sflag:$0x1] =	stream.indirect_vreg.gather [hbm4b:s6+s3], $0x80, v3, vm0, $0xb8;
	[tilespmem:$0x1A000] =	vst v63  }
0x35: {  	_ = 	snop  }
0x36: {  	[tilespmem:s26], [sflag:$0x1] =	stream.indirect_vreg.gather [hbm4b:s8+s3], $0x80, v3, vm0, $0xb8;
	[tilespmem:$0x1A000] =	vst v63  }
0x37: {  	v3 =	vld [tilespmem:$0x80];
	_ =	sdelay $0x4  }
0x38: {  	v55 =	vshll.u32 v3, $0x3  }
0x39: {  	v3 =	vand.u32 $0x7, v3;
	v4 =	vand.u32 $0xFFFFFFC0, v55  }
0x3a: {  	v3 =	vor.u32 v3, v4  }
0x3b: {  	v4 =	vperm.xlane v3, v0;
	_ =	sdelay $0x1  }
0x3c: {  	v4 =	vadd.s32 v1, v4;
	_ =	sdelay $0x3  }
0x3d: {  	s14 =	simm.s32 $0x6000  }
0x3e: {  	[tilespmem:s14], [sflag:$0x2] =	stream.indirect_vreg.gather [hbm4b:s2+s3], $0x80, v4, vm0, $0xb8;
	[tilespmem:$0x1A000] =	vst v63  }
0x3f: {  	v3 =	vperm.xlane v3, v2  }
0x40: {  	[tilespmem:s13], [sflag:$0x2] =	stream.indirect_vreg.gather [hbm4b:s5+s3], $0x80, v4, vm0, $0xb8;
	[tilespmem:$0x1A000] =	vst v63  }
0x41: {  	v3 =	vadd.s32 v1, v3  }
0x42: {  	[tilespmem:s7], [sflag:$0x2] =	stream.indirect_vreg.gather [hbm4b:s6+s3], $0x80, v4, vm0, $0xb8;
	[tilespmem:$0x1A000] =	vst v63  }
0x43: {  	_ = 	snop  }
0x44: {  	[tilespmem:s29], [sflag:$0x2] =	stream.indirect_vreg.gather [hbm4b:s8+s3], $0x80, v4, vm0, $0xb8;
	[tilespmem:$0x1A000] =	vst v63  }
0x45: {  	_ = 	snop  }
0x46: {  	[tilespmem:s31], [sflag:$0x2] =	stream.indirect_vreg.gather [hbm4b:s2+s3], $0x80, v3, vm0, $0xb8;
	[tilespmem:$0x1A000] =	vst v63  }
0x47: {  	s14 =	simm.s32 $0x8800  }
0x48: {  	[tilespmem:s14], [sflag:$0x2] =	stream.indirect_vreg.gather [hbm4b:s5+s3], $0x80, v3, vm0, $0xb8;
	[tilespmem:$0x1A000] =	vst v63  }
0x49: {  	s7 =	simm.s32 $0x9000  }
0x4a: {  	[tilespmem:s7], [sflag:$0x2] =	stream.indirect_vreg.gather [hbm4b:s6+s3], $0x80, v3, vm0, $0xb8;
	[tilespmem:$0x1A000] =	vst v63  }
0x4b: {  	s14 =	simm.s32 $0x9800  }
0x4c: {  	[tilespmem:s14], [sflag:$0x2] =	stream.indirect_vreg.gather [hbm4b:s8+s3], $0x80, v3, vm0, $0xb8;
	[tilespmem:$0x1A000] =	vst v63  }
0x4d: {  	v3 =	vld [tilespmem:$0x100];
	_ =	sdelay $0x4  }
0x4e: {  	v56 =	vshll.u32 v3, $0x3  }
0x4f: {  	v3 =	vand.u32 $0x7, v3;
	v4 =	vand.u32 $0xFFFFFFC0, v56  }
0x50: {  	v3 =	vor.u32 v3, v4  }
0x51: {  	v4 =	vperm.xlane v3, v0;
	_ =	sdelay $0x1  }
0x52: {  	v4 =	vadd.s32 v1, v4;
	_ =	sdelay $0x3  }
0x53: {  	s7 =	simm.s32 $0xA000  }
0x54: {  	[tilespmem:s7], [sflag:$0x3] =	stream.indirect_vreg.gather [hbm4b:s2+s3], $0x80, v4, vm0, $0xb8;
	[tilespmem:$0x1A000] =	vst v63  }
0x55: {  	s14 =	simm.s32 $0xA800;
	v3 =	vperm.xlane v3, v2  }
0x56: {  	[tilespmem:s14], [sflag:$0x3] =	stream.indirect_vreg.gather [hbm4b:s5+s3], $0x80, v4, vm0, $0xb8;
	[tilespmem:$0x1A000] =	vst v63  }
0x57: {  	v3 =	vadd.s32 v1, v3;
	s7 =	simm.s32 $0xB000  }
0x58: {  	[tilespmem:s7], [sflag:$0x3] =	stream.indirect_vreg.gather [hbm4b:s6+s3], $0x80, v4, vm0, $0xb8;
	[tilespmem:$0x1A000] =	vst v63  }
0x59: {  	s14 =	simm.s32 $0xB800  }
0x5a: {  	[tilespmem:s14], [sflag:$0x3] =	stream.indirect_vreg.gather [hbm4b:s8+s3], $0x80, v4, vm0, $0xb8;
	[tilespmem:$0x1A000] =	vst v63  }
0x5b: {  	s7 =	simm.s32 $0xC000  }
0x5c: {  	[tilespmem:s7], [sflag:$0x3] =	stream.indirect_vreg.gather [hbm4b:s2+s3], $0x80, v3, vm0, $0xb8;
	[tilespmem:$0x1A000] =	vst v63  }
0x5d: {  	s14 =	simm.s32 $0xC800  }
0x5e: {  	[tilespmem:s14], [sflag:$0x3] =	stream.indirect_vreg.gather [hbm4b:s5+s3], $0x80, v3, vm0, $0xb8;
	[tilespmem:$0x1A000] =	vst v63  }
0x5f: {  	s7 =	simm.s32 $0xD000  }
0x60: {  	[tilespmem:s7], [sflag:$0x3] =	stream.indirect_vreg.gather [hbm4b:s6+s3], $0x80, v3, vm0, $0xb8;
	[tilespmem:$0x1A000] =	vst v63  }
0x61: {  	s14 =	simm.s32 $0xD800  }
0x62: {  	[tilespmem:s14], [sflag:$0x3] =	stream.indirect_vreg.gather [hbm4b:s8+s3], $0x80, v3, vm0, $0xb8;
	[tilespmem:$0x1A000] =	vst v63  }
0x63: {  	v3 =	vld [tilespmem:$0x180];
	_ =	sdelay $0x4  }
0x64: {  	v57 =	vshll.u32 v3, $0x3  }
0x65: {  	v3 =	vand.u32 $0x7, v3;
	v4 =	vand.u32 $0xFFFFFFC0, v57  }
0x66: {  	v3 =	vor.u32 v3, v4  }
0x67: {  	v4 =	vperm.xlane v3, v0;
	_ =	sdelay $0x1  }
0x68: {  	v4 =	vadd.s32 v1, v4;
	_ =	sdelay $0x3  }
0x69: {  	s7 =	simm.s32 $0xE000  }
0x6a: {  	[tilespmem:s7], [sflag:$0x4] =	stream.indirect_vreg.gather [hbm4b:s2+s3], $0x80, v4, vm0, $0xb8;
	[tilespmem:$0x1A000] =	vst v63  }
0x6b: {  	s14 =	simm.s32 $0xE800;
	v3 =	vperm.xlane v3, v2  }
0x6c: {  	[tilespmem:s14], [sflag:$0x4] =	stream.indirect_vreg.gather [hbm4b:s5+s3], $0x80, v4, vm0, $0xb8;
	[tilespmem:$0x1A000] =	vst v63  }
0x6d: {  	v3 =	vadd.s32 v1, v3;
	s7 =	simm.s32 $0xF000  }
0x6e: {  	[tilespmem:s7], [sflag:$0x4] =	stream.indirect_vreg.gather [hbm4b:s6+s3], $0x80, v4, vm0, $0xb8;
	[tilespmem:$0x1A000] =	vst v63  }
0x6f: {  	s14 =	simm.s32 $0xF800  }
0x70: {  	[tilespmem:s14], [sflag:$0x4] =	stream.indirect_vreg.gather [hbm4b:s8+s3], $0x80, v4, vm0, $0xb8;
	[tilespmem:$0x1A000] =	vst v63  }
0x71: {  	s7 =	simm.s32 $0x10000  }
0x72: {  	[tilespmem:s7], [sflag:$0x4] =	stream.indirect_vreg.gather [hbm4b:s2+s3], $0x80, v3, vm0, $0xb8;
	[tilespmem:$0x1A000] =	vst v63  }
0x73: {  	s14 =	simm.s32 $0x10800  }
0x74: {  	[tilespmem:s14], [sflag:$0x4] =	stream.indirect_vreg.gather [hbm4b:s5+s3], $0x80, v3, vm0, $0xb8;
	[tilespmem:$0x1A000] =	vst v63  }
0x75: {  	s7 =	simm.s32 $0x11000  }
0x76: {  	[tilespmem:s7], [sflag:$0x4] =	stream.indirect_vreg.gather [hbm4b:s6+s3], $0x80, v3, vm0, $0xb8;
	[tilespmem:$0x1A000] =	vst v63  }
0x77: {  	s14 =	simm.s32 $0x11800  }
0x78: {  	[tilespmem:s14], [sflag:$0x4] =	stream.indirect_vreg.gather [hbm4b:s8+s3], $0x80, v3, vm0, $0xb8;
	[tilespmem:$0x1A000] =	vst v63  }
0x79: {  	v3 =	vld [tilespmem:$0x200];
	_ =	sdelay $0x4  }
0x7a: {  	v58 =	vshll.u32 v3, $0x3  }
0x7b: {  	v3 =	vand.u32 $0x7, v3;
	v4 =	vand.u32 $0xFFFFFFC0, v58  }
0x7c: {  	v3 =	vor.u32 v3, v4  }
0x7d: {  	v4 =	vperm.xlane v3, v0;
	_ =	sdelay $0x1  }
0x7e: {  	v4 =	vadd.s32 v1, v4;
	_ =	sdelay $0x3  }
0x7f: {  	s0 =	simm.s32 $0x12000  }
0x80: {  	[tilespmem:s0], [sflag:$0x5] =	stream.indirect_vreg.gather [hbm4b:s2+s3], $0x80, v4, vm0, $0xb8;
	[tilespmem:$0x1A000] =	vst v63  }
0x81: {  	s7 =	simm.s32 $0x12800;
	v3 =	vperm.xlane v3, v2  }
0x82: {  	[tilespmem:s7], [sflag:$0x5] =	stream.indirect_vreg.gather [hbm4b:s5+s3], $0x80, v4, vm0, $0xb8;
	[tilespmem:$0x1A000] =	vst v63  }
0x83: {  	v3 =	vadd.s32 v1, v3;
	s7 =	simm.s32 $0x13000  }
0x84: {  	[tilespmem:s7], [sflag:$0x5] =	stream.indirect_vreg.gather [hbm4b:s6+s3], $0x80, v4, vm0, $0xb8;
	[tilespmem:$0x1A000] =	vst v63  }
0x85: {  	s7 =	simm.s32 $0x13800  }
0x86: {  	[tilespmem:s7], [sflag:$0x5] =	stream.indirect_vreg.gather [hbm4b:s8+s3], $0x80, v4, vm0, $0xb8;
	[tilespmem:$0x1A000] =	vst v63  }
0x87: {  	s7 =	simm.s32 $0x14000  }
0x88: {  	[tilespmem:s7], [sflag:$0x5] =	stream.indirect_vreg.gather [hbm4b:s2+s3], $0x80, v3, vm0, $0xb8;
	[tilespmem:$0x1A000] =	vst v63  }
0x89: {  	s7 =	simm.s32 $0x14800  }
0x8a: {  	[tilespmem:s7], [sflag:$0x5] =	stream.indirect_vreg.gather [hbm4b:s5+s3], $0x80, v3, vm0, $0xb8;
	[tilespmem:$0x1A000] =	vst v63  }
0x8b: {  	s7 =	simm.s32 $0x15000  }
0x8c: {  	[tilespmem:s7], [sflag:$0x5] =	stream.indirect_vreg.gather [hbm4b:s6+s3], $0x80, v3, vm0, $0xb8;
	[tilespmem:$0x1A000] =	vst v63  }
0x8d: {  	s7 =	simm.s32 $0x15800  }
0x8e: {  	[tilespmem:s7], [sflag:$0x5] =	stream.indirect_vreg.gather [hbm4b:s8+s3], $0x80, v3, vm0, $0xb8;
	[tilespmem:$0x1A000] =	vst v63  }
0x8f: {  	_ =	swait.ge [sflag:s12], $0x4000  }
0x90: {  	[sflag:s12] =	ssyncset.done $0x0  }
0x91: {  	s7 =	simm.s32 $0x2000;
	s14 =	rddreg [dreg:$0x6];
	[sflag:s12] =	ssyncadd.s32 $0xFFFFC000  }
0x92: {  	[hbm4b:s14+s3] =	stream.linear.scatter [tilespmem:s7], [sflag:$0x7], $0x4000, $0x38;
	[tilespmem:$0x1A000] =	vst v63  }
0x93: {  	v3 =	vld [tilespmem:$0x280];
	_ =	sdelay $0x4  }
0x94: {  	v59 =	vshll.u32 v3, $0x3  }
0x95: {  	v3 =	vand.u32 $0x7, v3;
	v4 =	vand.u32 $0xFFFFFFC0, v59  }
0x96: {  	v3 =	vor.u32 v3, v4  }
0x97: {  	v4 =	vperm.xlane v3, v0;
	_ =	sdelay $0x1  }
0x98: {  	v4 =	vadd.s32 v1, v4;
	_ =	sdelay $0x4  }
0x99: {  	[tilespmem:s1], [sflag:$0x6] =	stream.indirect_vreg.gather [hbm4b:s2+s3], $0x80, v4, vm0, $0xb8;
	[tilespmem:$0x1A000] =	vst v63  }
0x9a: {  	s14 =	simm.s32 $0x16800;
	v3 =	vperm.xlane v3, v2  }
0x9b: {  	[tilespmem:s14], [sflag:$0x6] =	stream.indirect_vreg.gather [hbm4b:s5+s3], $0x80, v4, vm0, $0xb8;
	[tilespmem:$0x1A000] =	vst v63  }
0x9c: {  	v3 =	vadd.s32 v1, v3;
	s14 =	simm.s32 $0x17000  }
0x9d: {  	[tilespmem:s14], [sflag:$0x6] =	stream.indirect_vreg.gather [hbm4b:s6+s3], $0x80, v4, vm0, $0xb8;
	[tilespmem:$0x1A000] =	vst v63  }
0x9e: {  	s14 =	simm.s32 $0x17800  }
0x9f: {  	[tilespmem:s14], [sflag:$0x6] =	stream.indirect_vreg.gather [hbm4b:s8+s3], $0x80, v4, vm0, $0xb8;
	[tilespmem:$0x1A000] =	vst v63  }
0xa0: {  	s14 =	simm.s32 $0x18000  }
0xa1: {  	[tilespmem:s14], [sflag:$0x6] =	stream.indirect_vreg.gather [hbm4b:s2+s3], $0x80, v3, vm0, $0xb8;
	[tilespmem:$0x1A000] =	vst v63  }
0xa2: {  	s14 =	simm.s32 $0x18800  }
0xa3: {  	[tilespmem:s14], [sflag:$0x6] =	stream.indirect_vreg.gather [hbm4b:s5+s3], $0x80, v3, vm0, $0xb8;
	[tilespmem:$0x1A000] =	vst v63  }
0xa4: {  	s14 =	simm.s32 $0x19000  }
0xa5: {  	[tilespmem:s14], [sflag:$0x6] =	stream.indirect_vreg.gather [hbm4b:s6+s3], $0x80, v3, vm0, $0xb8;
	[tilespmem:$0x1A000] =	vst v63  }
0xa6: {  	s14 =	simm.s32 $0x19800  }
0xa7: {  	[tilespmem:s14], [sflag:$0x6] =	stream.indirect_vreg.gather [hbm4b:s8+s3], $0x80, v3, vm0, $0xb8;
	[tilespmem:$0x1A000] =	vst v63  }
0xa8: {  	_ =	swait.ge [sflag:s17], $0x4000  }
0xa9: {  	[sflag:s17] =	ssyncset.done $0x0  }
0xaa: {  	s1 =	simm.s32 $0x6000;
	s14 =	rddreg [dreg:$0x7];
	[sflag:s17] =	ssyncadd.s32 $0xFFFFC000  }
0xab: {  	[hbm4b:s14+s3] =	stream.linear.scatter [tilespmem:s1], [sflag:$0x8], $0x4000, $0x38;
	[tilespmem:$0x1A000] =	vst v63  }
0xac: {  	_ =	swait.ge [sflag:s4], $0x4000  }
0xad: {  	[sflag:s4] =	ssyncset.done $0x0  }
0xae: {  	[sflag:s4] =	ssyncadd.s32 $0xFFFFC000  }
0xaf: {  	v3 =	vld [tilespmem:$0x300];
	_ =	sdelay $0x4  }
0xb0: {  	v60 =	vshll.u32 v3, $0x3  }
0xb1: {  	v3 =	vand.u32 $0x7, v3;
	v4 =	vand.u32 $0xFFFFFFC0, v60  }
0xb2: {  	v3 =	vor.u32 v3, v4  }
0xb3: {  	v4 =	vperm.xlane v3, v0;
	_ =	sdelay $0x1  }
0xb4: {  	v4 =	vadd.s32 v1, v4;
	_ =	sdelay $0x3  }
0xb5: {  	s7 =	simm.s32 $0x2000  }
0xb6: {  	[tilespmem:s7], [sflag:$0x1] =	stream.indirect_vreg.gather [hbm4b:s2+s3], $0x80, v4, vm0, $0xb8;
	[tilespmem:$0x1A000] =	vst v63  }
0xb7: {  	v3 =	vperm.xlane v3, v2  }
0xb8: {  	[tilespmem:s25], [sflag:$0x1] =	stream.indirect_vreg.gather [hbm4b:s5+s3], $0x80, v4, vm0, $0xb8;
	[tilespmem:$0x1A000] =	vst v63  }
0xb9: {  	v3 =	vadd.s32 v1, v3  }
0xba: {  	[tilespmem:s15], [sflag:$0x1] =	stream.indirect_vreg.gather [hbm4b:s6+s3], $0x80, v4, vm0, $0xb8;
	[tilespmem:$0x1A000] =	vst v63  }
0xbb: {  	_ = 	snop  }
0xbc: {  	[tilespmem:s20], [sflag:$0x1] =	stream.indirect_vreg.gather [hbm4b:s8+s3], $0x80, v4, vm0, $0xb8;
	[tilespmem:$0x1A000] =	vst v63  }
0xbd: {  	_ = 	snop  }
0xbe: {  	[tilespmem:s16], [sflag:$0x1] =	stream.indirect_vreg.gather [hbm4b:s2+s3], $0x80, v3, vm0, $0xb8;
	[tilespmem:$0x1A000] =	vst v63  }
0xbf: {  	_ = 	snop  }
0xc0: {  	[tilespmem:s28], [sflag:$0x1] =	stream.indirect_vreg.gather [hbm4b:s5+s3], $0x80, v3, vm0, $0xb8;
	[tilespmem:$0x1A000] =	vst v63  }
0xc1: {  	_ = 	snop  }
0xc2: {  	[tilespmem:s11], [sflag:$0x1] =	stream.indirect_vreg.gather [hbm4b:s6+s3], $0x80, v3, vm0, $0xb8;
	[tilespmem:$0x1A000] =	vst v63  }
0xc3: {  	_ = 	snop  }
0xc4: {  	[tilespmem:s26], [sflag:$0x1] =	stream.indirect_vreg.gather [hbm4b:s8+s3], $0x80, v3, vm0, $0xb8;
	[tilespmem:$0x1A000] =	vst v63  }
0xc5: {  	_ =	swait.ge [sflag:s18], $0x4000  }
0xc6: {  	[sflag:s18] =	ssyncset.done $0x0  }
0xc7: {  	s7 =	simm.s32 $0xA000;
	s28 =	rddreg [dreg:$0x8];
	[sflag:s18] =	ssyncadd.s32 $0xFFFFC000  }
0xc8: {  	[hbm4b:s28+s3] =	stream.linear.scatter [tilespmem:s7], [sflag:$0x9], $0x4000, $0x38;
	[tilespmem:$0x1A000] =	vst v63  }
0xc9: {  	_ =	swait.ge [sflag:s9], $0x4000  }
0xca: {  	[sflag:s9] =	ssyncset.done $0x0  }
0xcb: {  	[sflag:s9] =	ssyncadd.s32 $0xFFFFC000  }
0xcc: {  	v3 =	vld [tilespmem:$0x380];
	_ =	sdelay $0x4  }
0xcd: {  	v61 =	vshll.u32 v3, $0x3  }
0xce: {  	v3 =	vand.u32 $0x7, v3;
	v4 =	vand.u32 $0xFFFFFFC0, v61  }
0xcf: {  	v3 =	vor.u32 v3, v4  }
0xd0: {  	v4 =	vperm.xlane v3, v0;
	_ =	sdelay $0x1  }
0xd1: {  	v4 =	vadd.s32 v1, v4;
	_ =	sdelay $0x4  }
0xd2: {  	[tilespmem:s1], [sflag:$0x2] =	stream.indirect_vreg.gather [hbm4b:s2+s3], $0x80, v4, vm0, $0xb8;
	[tilespmem:$0x1A000] =	vst v63  }
0xd3: {  	v3 =	vperm.xlane v3, v2  }
0xd4: {  	[tilespmem:s13], [sflag:$0x2] =	stream.indirect_vreg.gather [hbm4b:s5+s3], $0x80, v4, vm0, $0xb8;
	[tilespmem:$0x1A000] =	vst v63  }
0xd5: {  	v3 =	vadd.s32 v1, v3;
	s13 =	simm.s32 $0x7000  }
0xd6: {  	[tilespmem:s13], [sflag:$0x2] =	stream.indirect_vreg.gather [hbm4b:s6+s3], $0x80, v4, vm0, $0xb8;
	[tilespmem:$0x1A000] =	vst v63  }
0xd7: {  	_ = 	snop  }
0xd8: {  	[tilespmem:s29], [sflag:$0x2] =	stream.indirect_vreg.gather [hbm4b:s8+s3], $0x80, v4, vm0, $0xb8;
	[tilespmem:$0x1A000] =	vst v63  }
0xd9: {  	_ = 	snop  }
0xda: {  	[tilespmem:s31], [sflag:$0x2] =	stream.indirect_vreg.gather [hbm4b:s2+s3], $0x80, v3, vm0, $0xb8;
	[tilespmem:$0x1A000] =	vst v63  }
0xdb: {  	s14 =	simm.s32 $0x8800  }
0xdc: {  	[tilespmem:s14], [sflag:$0x2] =	stream.indirect_vreg.gather [hbm4b:s5+s3], $0x80, v3, vm0, $0xb8;
	[tilespmem:$0x1A000] =	vst v63  }
0xdd: {  	s15 =	simm.s32 $0x9000  }
0xde: {  	[tilespmem:s15], [sflag:$0x2] =	stream.indirect_vreg.gather [hbm4b:s6+s3], $0x80, v3, vm0, $0xb8;
	[tilespmem:$0x1A000] =	vst v63  }
0xdf: {  	s16 =	simm.s32 $0x9800  }
0xe0: {  	[tilespmem:s16], [sflag:$0x2] =	stream.indirect_vreg.gather [hbm4b:s8+s3], $0x80, v3, vm0, $0xb8;
	[tilespmem:$0x1A000] =	vst v63  }
0xe1: {  	_ =	swait.ge [sflag:s10], $0x4000  }
0xe2: {  	[sflag:s10] =	ssyncset.done $0x0  }
0xe3: {  	s25 =	simm.s32 $0xE000;
	s20 =	rddreg [dreg:$0x9];
	[sflag:s10] =	ssyncadd.s32 $0xFFFFC000  }
0xe4: {  	[hbm4b:s20+s3] =	stream.linear.scatter [tilespmem:s25], [sflag:$0xA], $0x4000, $0x38;
	[tilespmem:$0x1A000] =	vst v63  }
0xe5: {  	_ =	swait.ge [sflag:s19], $0x4000  }
0xe6: {  	[sflag:s19] =	ssyncset.done $0x0  }
0xe7: {  	[sflag:s19] =	ssyncadd.s32 $0xFFFFC000  }
0xe8: {  	v3 =	vld [tilespmem:$0x400];
	_ =	sdelay $0x4  }
0xe9: {  	v62 =	vshll.u32 v3, $0x3  }
0xea: {  	v3 =	vand.u32 $0x7, v3;
	v4 =	vand.u32 $0xFFFFFFC0, v62  }
0xeb: {  	v3 =	vor.u32 v3, v4  }
0xec: {  	v4 =	vperm.xlane v3, v0;
	_ =	sdelay $0x1  }
0xed: {  	v4 =	vadd.s32 v1, v4;
	_ =	sdelay $0x4  }
0xee: {  	[tilespmem:s7], [sflag:$0x3] =	stream.indirect_vreg.gather [hbm4b:s2+s3], $0x80, v4, vm0, $0xb8;
	[tilespmem:$0x1A000] =	vst v63  }
0xef: {  	s26 =	simm.s32 $0xA800;
	v3 =	vperm.xlane v3, v2  }
0xf0: {  	[tilespmem:s26], [sflag:$0x3] =	stream.indirect_vreg.gather [hbm4b:s5+s3], $0x80, v4, vm0, $0xb8;
	[tilespmem:$0x1A000] =	vst v63  }
0xf1: {  	s28 =	simm.s32 $0xB000;
	v3 =	vadd.s32 v1, v3  }
0xf2: {  	[tilespmem:s28], [sflag:$0x3] =	stream.indirect_vreg.gather [hbm4b:s6+s3], $0x80, v4, vm0, $0xb8;
	[tilespmem:$0x1A000] =	vst v63  }
0xf3: {  	s29 =	simm.s32 $0xB800  }
0xf4: {  	[tilespmem:s29], [sflag:$0x3] =	stream.indirect_vreg.gather [hbm4b:s8+s3], $0x80, v4, vm0, $0xb8;
	[tilespmem:$0x1A000] =	vst v63  }
0xf5: {  	s31 =	simm.s32 $0xC000  }
0xf6: {  	[tilespmem:s31], [sflag:$0x3] =	stream.indirect_vreg.gather [hbm4b:s2+s3], $0x80, v3, vm0, $0xb8;
	[tilespmem:$0x1A000] =	vst v63  }
0xf7: {  	s11 =	simm.s32 $0xC800  }
0xf8: {  	[tilespmem:s11], [sflag:$0x3] =	stream.indirect_vreg.gather [hbm4b:s5+s3], $0x80, v3, vm0, $0xb8;
	[tilespmem:$0x1A000] =	vst v63  }
0xf9: {  	s13 =	simm.s32 $0xD000  }
0xfa: {  	[tilespmem:s13], [sflag:$0x3] =	stream.indirect_vreg.gather [hbm4b:s6+s3], $0x80, v3, vm0, $0xb8;
	[tilespmem:$0x1A000] =	vst v63  }
0xfb: {  	s14 =	simm.s32 $0xD800  }
0xfc: {  	[tilespmem:s14], [sflag:$0x3] =	stream.indirect_vreg.gather [hbm4b:s8+s3], $0x80, v3, vm0, $0xb8;
	[tilespmem:$0x1A000] =	vst v63  }
0xfd: {  	_ =	swait.ge [sflag:s21], $0x4000  }
0xfe: {  	[sflag:s21] =	ssyncset.done $0x0  }
0xff: {  	s15 =	rddreg [dreg:$0xa];
	[sflag:s21] =	ssyncadd.s32 $0xFFFFC000  }
0x100: {  	[hbm4b:s15+s3] =	stream.linear.scatter [tilespmem:s0], [sflag:$0xB], $0x4000, $0x38;
	[tilespmem:$0x1A000] =	vst v63  }
0x101: {  	_ =	swait.ge [sflag:s22], $0x4000  }
0x102: {  	[sflag:s22] =	ssyncset.done $0x0  }
0x103: {  	[sflag:s22] =	ssyncadd.s32 $0xFFFFC000  }
0x104: {  	v3 =	vld [tilespmem:$0x480];
	_ =	sdelay $0x4  }
0x105: {  	v63 =	vshll.u32 v3, $0x3  }
0x106: {  	v3 =	vand.u32 $0x7, v3;
	v4 =	vand.u32 $0xFFFFFFC0, v63  }
0x107: {  	v3 =	vor.u32 v3, v4  }
0x108: {  	v4 =	vperm.xlane v3, v0;
	_ =	sdelay $0x1  }
0x109: {  	v4 =	vadd.s32 v1, v4;
	_ =	sdelay $0x4  }
0x10a: {  	[tilespmem:s25], [sflag:$0x4] =	stream.indirect_vreg.gather [hbm4b:s2+s3], $0x80, v4, vm0, $0xb8;
	[tilespmem:$0x1A000] =	vst v63  }
0x10b: {  	s16 =	simm.s32 $0xE800;
	v3 =	vperm.xlane v3, v2  }
0x10c: {  	[tilespmem:s16], [sflag:$0x4] =	stream.indirect_vreg.gather [hbm4b:s5+s3], $0x80, v4, vm0, $0xb8;
	[tilespmem:$0x1A000] =	vst v63  }
0x10d: {  	s20 =	simm.s32 $0xF000;
	v3 =	vadd.s32 v1, v3  }
0x10e: {  	[tilespmem:s20], [sflag:$0x4] =	stream.indirect_vreg.gather [hbm4b:s6+s3], $0x80, v4, vm0, $0xb8;
	[tilespmem:$0x1A000] =	vst v63  }
0x10f: {  	s25 =	simm.s32 $0xF800  }
0x110: {  	[tilespmem:s25], [sflag:$0x4] =	stream.indirect_vreg.gather [hbm4b:s8+s3], $0x80, v4, vm0, $0xb8;
	[tilespmem:$0x1A000] =	vst v63  }
0x111: {  	s26 =	simm.s32 $0x10000  }
0x112: {  	[tilespmem:s26], [sflag:$0x4] =	stream.indirect_vreg.gather [hbm4b:s2+s3], $0x80, v3, vm0, $0xb8;
	[tilespmem:$0x1A000] =	vst v63  }
0x113: {  	s28 =	simm.s32 $0x10800  }
0x114: {  	[tilespmem:s28], [sflag:$0x4] =	stream.indirect_vreg.gather [hbm4b:s5+s3], $0x80, v3, vm0, $0xb8;
	[tilespmem:$0x1A000] =	vst v63  }
0x115: {  	s29 =	simm.s32 $0x11000;
	s31 =	simm.s32 $0x11800  }
0x116: {  	[tilespmem:s29], [sflag:$0x4] =	stream.indirect_vreg.gather [hbm4b:s6+s3], $0x80, v3, vm0, $0xb8;
	[tilespmem:$0x1A000] =	vst v63  }
0x117: {  	s14 =	simm.s32 $0x780;
	s15 =	simm.s32 $0x8000;
	s25 =	simm.s32 $0x0  }
0x118: {  	[tilespmem:s31], [sflag:$0x4] =	stream.indirect_vreg.gather [hbm4b:s8+s3], $0x80, v3, vm0, $0xb8;
	[tilespmem:$0x1A000] =	vst v63  }
.LBB2_2:
0x119: {  	_ =	swait.ge [sflag:s23], $0x4000  }
0x11a: {  	s31 =	rddreg [dreg:$0x4]  }
0x11b: {  	[sflag:s23] =	ssyncset.done $0x0;
	s31 =	sadd.s32 s25, s31  }
0x11c: {  	s7 =	simm.s32 $0x16000;
	[sflag:s23] =	ssyncadd.s32 $0xFFFFC000;
	s26 =	sadd.s32 $0x2800, s31  }
0x11d: {  	[hbm4b:s26+s3] =	stream.linear.scatter [tilespmem:s7], [sflag:$0xC], $0x4000, $0x38;
	[tilespmem:$0x1A000] =	vst v63  }
0x11e: {  	_ =	swait.ge [sflag:s30], $0x4000  }
0x11f: {  	[sflag:s30] =	ssyncset.done $0x0  }
0x120: {  	[sflag:s30] =	ssyncadd.s32 $0xFFFFC000  }
0x121: {  	v3 =	vld [tilespmem:s14+$0xFFFFFD80];
	_ =	sdelay $0x4  }
0x122: {  	v4 =	vshll.u32 v3, $0x3  }
0x123: {  	v3 =	vand.u32 $0x7, v3;
	v4 =	vand.u32 $0xFFFFFFC0, v4  }
0x124: {  	v3 =	vor.u32 v3, v4  }
0x125: {  	v4 =	vperm.xlane v3, v0;
	_ =	sdelay $0x1  }
0x126: {  	v4 =	vadd.s32 v1, v4;
	_ =	sdelay $0x4  }
0x127: {  	[tilespmem:s0], [sflag:$0x5] =	stream.indirect_vreg.gather [hbm4b:s2+s3], $0x80, v4, vm0, $0xb8;
	[tilespmem:$0x1A000] =	vst v63  }
0x128: {  	s1 =	simm.s32 $0x12800;
	v3 =	vperm.xlane v3, v2  }
0x129: {  	[tilespmem:s1], [sflag:$0x5] =	stream.indirect_vreg.gather [hbm4b:s5+s3], $0x80, v4, vm0, $0xb8;
	[tilespmem:$0x1A000] =	vst v63  }
0x12a: {  	s11 =	simm.s32 $0x13000;
	v3 =	vadd.s32 v1, v3  }
0x12b: {  	[tilespmem:s11], [sflag:$0x5] =	stream.indirect_vreg.gather [hbm4b:s6+s3], $0x80, v4, vm0, $0xb8;
	[tilespmem:$0x1A000] =	vst v63  }
0x12c: {  	s13 =	simm.s32 $0x13800  }
0x12d: {  	[tilespmem:s13], [sflag:$0x5] =	stream.indirect_vreg.gather [hbm4b:s8+s3], $0x80, v4, vm0, $0xb8;
	[tilespmem:$0x1A000] =	vst v63  }
0x12e: {  	s16 =	simm.s32 $0x14000  }
0x12f: {  	[tilespmem:s16], [sflag:$0x5] =	stream.indirect_vreg.gather [hbm4b:s2+s3], $0x80, v3, vm0, $0xb8;
	[tilespmem:$0x1A000] =	vst v63  }
0x130: {  	s20 =	simm.s32 $0x14800  }
0x131: {  	[tilespmem:s20], [sflag:$0x5] =	stream.indirect_vreg.gather [hbm4b:s5+s3], $0x80, v3, vm0, $0xb8;
	[tilespmem:$0x1A000] =	vst v63  }
0x132: {  	s26 =	simm.s32 $0x15000  }
0x133: {  	[tilespmem:s26], [sflag:$0x5] =	stream.indirect_vreg.gather [hbm4b:s6+s3], $0x80, v3, vm0, $0xb8;
	[tilespmem:$0x1A000] =	vst v63  }
0x134: {  	s28 =	simm.s32 $0x15800  }
0x135: {  	[tilespmem:s28], [sflag:$0x5] =	stream.indirect_vreg.gather [hbm4b:s8+s3], $0x80, v3, vm0, $0xb8;
	[tilespmem:$0x1A000] =	vst v63  }
0x136: {  	_ =	swait.ge [sflag:s12], $0x4000  }
0x137: {  	[sflag:s12] =	ssyncset.done $0x0  }
0x138: {  	s1 =	sadd.s32 $0x3000, s31;
	s11 =	simm.s32 $0x2000;
	[sflag:s12] =	ssyncadd.s32 $0xFFFFC000  }
0x139: {  	[hbm4b:s1+s3] =	stream.linear.scatter [tilespmem:s11], [sflag:$0x7], $0x4000, $0x38;
	[tilespmem:$0x1A000] =	vst v63  }
0x13a: {  	_ =	swait.ge [sflag:s24], $0x4000  }
0x13b: {  	[sflag:s24] =	ssyncset.done $0x0  }
0x13c: {  	[sflag:s24] =	ssyncadd.s32 $0xFFFFC000  }
0x13d: {  	v3 =	vld [tilespmem:s14+$0xFFFFFE00];
	_ =	sdelay $0x4  }
0x13e: {  	v59 =	vshll.u32 v3, $0x3  }
0x13f: {  	v3 =	vand.u32 $0x7, v3;
	v4 =	vand.u32 $0xFFFFFFC0, v59  }
0x140: {  	v3 =	vor.u32 v3, v4  }
0x141: {  	v4 =	vperm.xlane v3, v0;
	_ =	sdelay $0x1  }
0x142: {  	v4 =	vadd.s32 v1, v4;
	_ =	sdelay $0x4  }
0x143: {  	[tilespmem:s7], [sflag:$0x6] =	stream.indirect_vreg.gather [hbm4b:s2+s3], $0x80, v4, vm0, $0xb8;
	[tilespmem:$0x1A000] =	vst v63  }
0x144: {  	s13 =	simm.s32 $0x16800;
	v3 =	vperm.xlane v3, v2  }
0x145: {  	[tilespmem:s13], [sflag:$0x6] =	stream.indirect_vreg.gather [hbm4b:s5+s3], $0x80, v4, vm0, $0xb8;
	[tilespmem:$0x1A000] =	vst v63  }
0x146: {  	s16 =	simm.s32 $0x17000;
	v3 =	vadd.s32 v1, v3  }
0x147: {  	[tilespmem:s16], [sflag:$0x6] =	stream.indirect_vreg.gather [hbm4b:s6+s3], $0x80, v4, vm0, $0xb8;
	[tilespmem:$0x1A000] =	vst v63  }
0x148: {  	s20 =	simm.s32 $0x17800  }
0x149: {  	[tilespmem:s20], [sflag:$0x6] =	stream.indirect_vreg.gather [hbm4b:s8+s3], $0x80, v4, vm0, $0xb8;
	[tilespmem:$0x1A000] =	vst v63  }
0x14a: {  	s26 =	simm.s32 $0x18000  }
0x14b: {  	[tilespmem:s26], [sflag:$0x6] =	stream.indirect_vreg.gather [hbm4b:s2+s3], $0x80, v3, vm0, $0xb8;
	[tilespmem:$0x1A000] =	vst v63  }
0x14c: {  	s28 =	simm.s32 $0x18800  }
0x14d: {  	[tilespmem:s28], [sflag:$0x6] =	stream.indirect_vreg.gather [hbm4b:s5+s3], $0x80, v3, vm0, $0xb8;
	[tilespmem:$0x1A000] =	vst v63  }
0x14e: {  	s13 =	simm.s32 $0x19000  }
0x14f: {  	[tilespmem:s13], [sflag:$0x6] =	stream.indirect_vreg.gather [hbm4b:s6+s3], $0x80, v3, vm0, $0xb8;
	[tilespmem:$0x1A000] =	vst v63  }
0x150: {  	s16 =	simm.s32 $0x19800  }
0x151: {  	[tilespmem:s16], [sflag:$0x6] =	stream.indirect_vreg.gather [hbm4b:s8+s3], $0x80, v3, vm0, $0xb8;
	[tilespmem:$0x1A000] =	vst v63  }
0x152: {  	_ =	swait.ge [sflag:s17], $0x4000  }
0x153: {  	[sflag:s17] =	ssyncset.done $0x0  }
0x154: {  	s20 =	sadd.s32 $0x3800, s31;
	s13 =	simm.s32 $0x6000;
	[sflag:s17] =	ssyncadd.s32 $0xFFFFC000  }
0x155: {  	[hbm4b:s20+s3] =	stream.linear.scatter [tilespmem:s13], [sflag:$0x8], $0x4000, $0x38;
	[tilespmem:$0x1A000] =	vst v63  }
0x156: {  	_ =	swait.ge [sflag:s4], $0x4000  }
0x157: {  	[sflag:s4] =	ssyncset.done $0x0  }
0x158: {  	[sflag:s4] =	ssyncadd.s32 $0xFFFFC000  }
0x159: {  	v3 =	vld [tilespmem:s14+$0xFFFFFE80];
	_ =	sdelay $0x4  }
0x15a: {  	v60 =	vshll.u32 v3, $0x3  }
0x15b: {  	v3 =	vand.u32 $0x7, v3;
	v4 =	vand.u32 $0xFFFFFFC0, v60  }
0x15c: {  	v3 =	vor.u32 v3, v4  }
0x15d: {  	v4 =	vperm.xlane v3, v0;
	_ =	sdelay $0x1  }
0x15e: {  	v4 =	vadd.s32 v1, v4;
	_ =	sdelay $0x4  }
0x15f: {  	[tilespmem:s11], [sflag:$0x1] =	stream.indirect_vreg.gather [hbm4b:s2+s3], $0x80, v4, vm0, $0xb8;
	[tilespmem:$0x1A000] =	vst v63  }
0x160: {  	s26 =	simm.s32 $0x2800;
	v3 =	vperm.xlane v3, v2  }
0x161: {  	[tilespmem:s26], [sflag:$0x1] =	stream.indirect_vreg.gather [hbm4b:s5+s3], $0x80, v4, vm0, $0xb8;
	[tilespmem:$0x1A000] =	vst v63  }
0x162: {  	s28 =	simm.s32 $0x3000;
	v3 =	vadd.s32 v1, v3  }
0x163: {  	[tilespmem:s28], [sflag:$0x1] =	stream.indirect_vreg.gather [hbm4b:s6+s3], $0x80, v4, vm0, $0xb8;
	[tilespmem:$0x1A000] =	vst v63  }
0x164: {  	s16 =	simm.s32 $0x3800  }
0x165: {  	[tilespmem:s16], [sflag:$0x1] =	stream.indirect_vreg.gather [hbm4b:s8+s3], $0x80, v4, vm0, $0xb8;
	[tilespmem:$0x1A000] =	vst v63  }
0x166: {  	s20 =	simm.s32 $0x4000  }
0x167: {  	[tilespmem:s20], [sflag:$0x1] =	stream.indirect_vreg.gather [hbm4b:s2+s3], $0x80, v3, vm0, $0xb8;
	[tilespmem:$0x1A000] =	vst v63  }
0x168: {  	s26 =	simm.s32 $0x4800  }
0x169: {  	[tilespmem:s26], [sflag:$0x1] =	stream.indirect_vreg.gather [hbm4b:s5+s3], $0x80, v3, vm0, $0xb8;
	[tilespmem:$0x1A000] =	vst v63  }
0x16a: {  	s11 =	simm.s32 $0x5000  }
0x16b: {  	[tilespmem:s11], [sflag:$0x1] =	stream.indirect_vreg.gather [hbm4b:s6+s3], $0x80, v3, vm0, $0xb8;
	[tilespmem:$0x1A000] =	vst v63  }
0x16c: {  	s28 =	simm.s32 $0x5800  }
0x16d: {  	[tilespmem:s28], [sflag:$0x1] =	stream.indirect_vreg.gather [hbm4b:s8+s3], $0x80, v3, vm0, $0xb8;
	[tilespmem:$0x1A000] =	vst v63  }
0x16e: {  	_ =	swait.ge [sflag:s18], $0x4000  }
0x16f: {  	[sflag:s18] =	ssyncset.done $0x0  }
0x170: {  	s16 =	sadd.s32 $0x4000, s31;
	s20 =	simm.s32 $0xA000;
	[sflag:s18] =	ssyncadd.s32 $0xFFFFC000  }
0x171: {  	[hbm4b:s16+s3] =	stream.linear.scatter [tilespmem:s20], [sflag:$0x9], $0x4000, $0x38;
	[tilespmem:$0x1A000] =	vst v63  }
0x172: {  	_ =	swait.ge [sflag:s9], $0x4000  }
0x173: {  	[sflag:s9] =	ssyncset.done $0x0  }
0x174: {  	[sflag:s9] =	ssyncadd.s32 $0xFFFFC000  }
0x175: {  	v3 =	vld [tilespmem:s14+$0xFFFFFF00];
	_ =	sdelay $0x4  }
0x176: {  	v61 =	vshll.u32 v3, $0x3  }
0x177: {  	v3 =	vand.u32 $0x7, v3;
	v4 =	vand.u32 $0xFFFFFFC0, v61  }
0x178: {  	v3 =	vor.u32 v3, v4  }
0x179: {  	v4 =	vperm.xlane v3, v0;
	_ =	sdelay $0x1  }
0x17a: {  	v4 =	vadd.s32 v1, v4;
	_ =	sdelay $0x4  }
0x17b: {  	[tilespmem:s13], [sflag:$0x2] =	stream.indirect_vreg.gather [hbm4b:s2+s3], $0x80, v4, vm0, $0xb8;
	[tilespmem:$0x1A000] =	vst v63  }
0x17c: {  	v3 =	vperm.xlane v3, v2;
	s13 =	simm.s32 $0x6800  }
0x17d: {  	[tilespmem:s13], [sflag:$0x2] =	stream.indirect_vreg.gather [hbm4b:s5+s3], $0x80, v4, vm0, $0xb8;
	[tilespmem:$0x1A000] =	vst v63  }
0x17e: {  	s16 =	simm.s32 $0x7000;
	v3 =	vadd.s32 v1, v3  }
0x17f: {  	[tilespmem:s16], [sflag:$0x2] =	stream.indirect_vreg.gather [hbm4b:s6+s3], $0x80, v4, vm0, $0xb8;
	[tilespmem:$0x1A000] =	vst v63  }
0x180: {  	s26 =	simm.s32 $0x7800  }
0x181: {  	[tilespmem:s26], [sflag:$0x2] =	stream.indirect_vreg.gather [hbm4b:s8+s3], $0x80, v4, vm0, $0xb8;
	[tilespmem:$0x1A000] =	vst v63  }
0x182: {  	_ = 	snop  }
0x183: {  	[tilespmem:s15], [sflag:$0x2] =	stream.indirect_vreg.gather [hbm4b:s2+s3], $0x80, v3, vm0, $0xb8;
	[tilespmem:$0x1A000] =	vst v63  }
0x184: {  	s28 =	simm.s32 $0x8800  }
0x185: {  	[tilespmem:s28], [sflag:$0x2] =	stream.indirect_vreg.gather [hbm4b:s5+s3], $0x80, v3, vm0, $0xb8;
	[tilespmem:$0x1A000] =	vst v63  }
0x186: {  	s26 =	simm.s32 $0x9000  }
0x187: {  	[tilespmem:s26], [sflag:$0x2] =	stream.indirect_vreg.gather [hbm4b:s6+s3], $0x80, v3, vm0, $0xb8;
	[tilespmem:$0x1A000] =	vst v63  }
0x188: {  	s28 =	simm.s32 $0x9800  }
0x189: {  	[tilespmem:s28], [sflag:$0x2] =	stream.indirect_vreg.gather [hbm4b:s8+s3], $0x80, v3, vm0, $0xb8;
	[tilespmem:$0x1A000] =	vst v63  }
0x18a: {  	_ =	swait.ge [sflag:s10], $0x4000  }
0x18b: {  	[sflag:s10] =	ssyncset.done $0x0  }
0x18c: {  	s16 =	sadd.s32 $0x4800, s31;
	s28 =	simm.s32 $0xE000;
	[sflag:s10] =	ssyncadd.s32 $0xFFFFC000  }
0x18d: {  	[hbm4b:s16+s3] =	stream.linear.scatter [tilespmem:s28], [sflag:$0xA], $0x4000, $0x38;
	[tilespmem:$0x1A000] =	vst v63  }
0x18e: {  	_ =	swait.ge [sflag:s19], $0x4000  }
0x18f: {  	[sflag:s19] =	ssyncset.done $0x0  }
0x190: {  	[sflag:s19] =	ssyncadd.s32 $0xFFFFC000  }
0x191: {  	v3 =	vld [tilespmem:s14+$0xFFFFFF80];
	_ =	sdelay $0x4  }
0x192: {  	v62 =	vshll.u32 v3, $0x3  }
0x193: {  	v3 =	vand.u32 $0x7, v3;
	v4 =	vand.u32 $0xFFFFFFC0, v62  }
0x194: {  	v3 =	vor.u32 v3, v4  }
0x195: {  	v4 =	vperm.xlane v3, v0;
	_ =	sdelay $0x1  }
0x196: {  	v4 =	vadd.s32 v1, v4;
	_ =	sdelay $0x4  }
0x197: {  	[tilespmem:s20], [sflag:$0x3] =	stream.indirect_vreg.gather [hbm4b:s2+s3], $0x80, v4, vm0, $0xb8;
	[tilespmem:$0x1A000] =	vst v63  }
0x198: {  	s26 =	simm.s32 $0xA800;
	v3 =	vperm.xlane v3, v2  }
0x199: {  	[tilespmem:s26], [sflag:$0x3] =	stream.indirect_vreg.gather [hbm4b:s5+s3], $0x80, v4, vm0, $0xb8;
	[tilespmem:$0x1A000] =	vst v63  }
0x19a: {  	v3 =	vadd.s32 v1, v3;
	s26 =	simm.s32 $0xB000  }
0x19b: {  	[tilespmem:s26], [sflag:$0x3] =	stream.indirect_vreg.gather [hbm4b:s6+s3], $0x80, v4, vm0, $0xb8;
	[tilespmem:$0x1A000] =	vst v63  }
0x19c: {  	s26 =	simm.s32 $0xB800  }
0x19d: {  	[tilespmem:s26], [sflag:$0x3] =	stream.indirect_vreg.gather [hbm4b:s8+s3], $0x80, v4, vm0, $0xb8;
	[tilespmem:$0x1A000] =	vst v63  }
0x19e: {  	s26 =	simm.s32 $0xC000  }
0x19f: {  	[tilespmem:s26], [sflag:$0x3] =	stream.indirect_vreg.gather [hbm4b:s2+s3], $0x80, v3, vm0, $0xb8;
	[tilespmem:$0x1A000] =	vst v63  }
0x1a0: {  	s26 =	simm.s32 $0xC800  }
0x1a1: {  	[tilespmem:s26], [sflag:$0x3] =	stream.indirect_vreg.gather [hbm4b:s5+s3], $0x80, v3, vm0, $0xb8;
	[tilespmem:$0x1A000] =	vst v63  }
0x1a2: {  	s26 =	simm.s32 $0xD000  }
0x1a3: {  	[tilespmem:s26], [sflag:$0x3] =	stream.indirect_vreg.gather [hbm4b:s6+s3], $0x80, v3, vm0, $0xb8;
	[tilespmem:$0x1A000] =	vst v63  }
0x1a4: {  	s26 =	simm.s32 $0xD800  }
0x1a5: {  	[tilespmem:s26], [sflag:$0x3] =	stream.indirect_vreg.gather [hbm4b:s8+s3], $0x80, v3, vm0, $0xb8;
	[tilespmem:$0x1A000] =	vst v63  }
0x1a6: {  	_ =	swait.ge [sflag:s21], $0x4000  }
0x1a7: {  	[sflag:s21] =	ssyncset.done $0x0  }
0x1a8: {  	s20 =	sadd.s32 $0x5000, s31;
	[sflag:s21] =	ssyncadd.s32 $0xFFFFC000  }
0x1a9: {  	[hbm4b:s20+s3] =	stream.linear.scatter [tilespmem:s0], [sflag:$0xB], $0x4000, $0x38;
	[tilespmem:$0x1A000] =	vst v63  }
0x1aa: {  	_ =	swait.ge [sflag:s22], $0x4000  }
0x1ab: {  	[sflag:s22] =	ssyncset.done $0x0  }
0x1ac: {  	[sflag:s22] =	ssyncadd.s32 $0xFFFFC000  }
0x1ad: {  	v3 =	vld [tilespmem:s14+$0x0];
	_ =	sdelay $0x4  }
0x1ae: {  	v63 =	vshll.u32 v3, $0x3  }
0x1af: {  	v3 =	vand.u32 $0x7, v3;
	v4 =	vand.u32 $0xFFFFFFC0, v63  }
0x1b0: {  	v3 =	vor.u32 v3, v4  }
0x1b1: {  	v4 =	vperm.xlane v3, v0;
	_ =	sdelay $0x1  }
0x1b2: {  	v4 =	vadd.s32 v1, v4;
	_ =	sdelay $0x4  }
0x1b3: {  	[tilespmem:s28], [sflag:$0x4] =	stream.indirect_vreg.gather [hbm4b:s2+s3], $0x80, v4, vm0, $0xb8;
	[tilespmem:$0x1A000] =	vst v63  }
0x1b4: {  	s31 =	simm.s32 $0xE800;
	v3 =	vperm.xlane v3, v2  }
0x1b5: {  	[tilespmem:s31], [sflag:$0x4] =	stream.indirect_vreg.gather [hbm4b:s5+s3], $0x80, v4, vm0, $0xb8;
	[tilespmem:$0x1A000] =	vst v63  }
0x1b6: {  	v3 =	vadd.s32 v1, v3;
	s28 =	simm.s32 $0xF000  }
0x1b7: {  	[tilespmem:s28], [sflag:$0x4] =	stream.indirect_vreg.gather [hbm4b:s6+s3], $0x80, v4, vm0, $0xb8;
	[tilespmem:$0x1A000] =	vst v63  }
0x1b8: {  	s31 =	simm.s32 $0xF800  }
0x1b9: {  	[tilespmem:s31], [sflag:$0x4] =	stream.indirect_vreg.gather [hbm4b:s8+s3], $0x80, v4, vm0, $0xb8;
	[tilespmem:$0x1A000] =	vst v63  }
0x1ba: {  	s28 =	simm.s32 $0x10000  }
0x1bb: {  	[tilespmem:s28], [sflag:$0x4] =	stream.indirect_vreg.gather [hbm4b:s2+s3], $0x80, v3, vm0, $0xb8;
	[tilespmem:$0x1A000] =	vst v63  }
0x1bc: {  	s29 =	simm.s32 $0x2000;
	p0 =	sne.s32 s25, $0x18000;
	s31 =	simm.s32 $0x10800  }
0x1bd: {  	[tilespmem:s31], [sflag:$0x4] =	stream.indirect_vreg.gather [hbm4b:s5+s3], $0x80, v3, vm0, $0xb8;
	[tilespmem:$0x1A000] =	vst v63  }
.Ltmp0:
0x1be: {  	s25 =	sadd.s32 $0x3000, s25;
	s1 =	simm.s32 $0x16000;
	(pc) =	sbr.rel @p0 .LBB2_2-.Ltmp0, $4  }
0x1bf: {  	s7 =	simm.s32 $0x6000;
	s16 =	simm.s32 $0xA000;
	s28 =	simm.s32 $0x11000  }
0x1c0: {  	[tilespmem:s28], [sflag:$0x4] =	stream.indirect_vreg.gather [hbm4b:s6+s3], $0x80, v3, vm0, $0xb8;
	[tilespmem:$0x1A000] =	vst v63  }
0x1c1: {  	s20 =	simm.s32 $0xE000;
	s14 =	sadd.s32 $0x300, s14;
	s31 =	simm.s32 $0x11800  }
0x1c2: {  	[tilespmem:s31], [sflag:$0x4] =	stream.indirect_vreg.gather [hbm4b:s8+s3], $0x80, v3, vm0, $0xb8;
	[tilespmem:$0x1A000] =	vst v63  }
0x1c3: {  	_ =	swait.ge [sflag:s23], $0x4000  }
0x1c4: {  	[sflag:s23] =	ssyncset.done $0x0  }
0x1c5: {  	s14 =	rddreg [dreg:$0xb];
	[sflag:s23] =	ssyncadd.s32 $0xFFFFC000  }
0x1c6: {  	[hbm4b:s14+s3] =	stream.linear.scatter [tilespmem:s1], [sflag:$0xC], $0x4000, $0x38;
	[tilespmem:$0x1A000] =	vst v63  }
0x1c7: {  	_ =	swait.ge [sflag:s12], $0x4000  }
0x1c8: {  	[sflag:s12] =	ssyncset.done $0x0  }
0x1c9: {  	s26 =	rddreg [dreg:$0xc];
	[sflag:s12] =	ssyncadd.s32 $0xFFFFC000  }
0x1ca: {  	[hbm4b:s26+s3] =	stream.linear.scatter [tilespmem:s29], [sflag:$0x7], $0x4000, $0x38;
	[tilespmem:$0x1A000] =	vst v63  }
0x1cb: {  	_ =	swait.ge [sflag:s17], $0x4000  }
0x1cc: {  	[sflag:s17] =	ssyncset.done $0x0  }
0x1cd: {  	s0 =	rddreg [dreg:$0xd];
	[sflag:s17] =	ssyncadd.s32 $0xFFFFC000  }
0x1ce: {  	[hbm4b:s0+s3] =	stream.linear.scatter [tilespmem:s7], [sflag:$0x8], $0x4000, $0x38;
	[tilespmem:$0x1A000] =	vst v63  }
0x1cf: {  	_ =	swait.ge [sflag:s18], $0x4000  }
0x1d0: {  	[sflag:s18] =	ssyncset.done $0x0  }
0x1d1: {  	s15 =	rddreg [dreg:$0xe];
	[sflag:s18] =	ssyncadd.s32 $0xFFFFC000  }
0x1d2: {  	[hbm4b:s15+s3] =	stream.linear.scatter [tilespmem:s16], [sflag:$0x9], $0x4000, $0x38;
	[tilespmem:$0x1A000] =	vst v63  }
0x1d3: {  	_ =	swait.ge [sflag:s10], $0x4000  }
0x1d4: {  	[sflag:s10] =	ssyncset.done $0x0  }
0x1d5: {  	s25 =	rddreg [dreg:$0xf];
	[sflag:s10] =	ssyncadd.s32 $0xFFFFC000  }
0x1d6: {  	[hbm4b:s25+s3] =	stream.linear.scatter [tilespmem:s20], [sflag:$0xA], $0x4000, $0x38;
	[tilespmem:$0x1A000] =	vst v63  }
0x1d7: {  	_ =	swait.ge [sflag:s4], $0x4000  }
0x1d8: {  	[sflag:s4] =	ssyncset.done $0x0  }
0x1d9: {  	[sflag:s4] =	ssyncadd.s32 $0xFFFFC000  }
0x1da: {  	_ =	swait.ge [sflag:s9], $0x4000  }
0x1db: {  	[sflag:s9] =	ssyncset.done $0x0  }
0x1dc: {  	[sflag:s9] =	ssyncadd.s32 $0xFFFFC000  }
0x1dd: {  	_ =	swait.ge [sflag:s19], $0x4000  }
0x1de: {  	[sflag:s19] =	ssyncset.done $0x0  }
0x1df: {  	[sflag:s19] =	ssyncadd.s32 $0xFFFFC000  }
0x1e0: {  	_ =	swait.ge [sflag:s22], $0x4000  }
0x1e1: {  	[sflag:s22] =	ssyncset.done $0x0  }
0x1e2: {  	[sflag:s22] =	ssyncadd.s32 $0xFFFFC000  }
0x1e3: {  	_ =	swait.ge [sflag:s30], $0x4000  }
0x1e4: {  	[sflag:s30] =	ssyncset.done $0x0  }
0x1e5: {  	[sflag:s30] =	ssyncadd.s32 $0xFFFFC000  }
0x1e6: {  	_ =	swait.ge [sflag:s24], $0x4000  }
0x1e7: {  	s0 =	rddreg [dreg:$0x11]  }
0x1e8: {  	s26 =	rddreg [dreg:$0x10];
	s0 =	sadd.s32 $0x1, s0  }
0x1e9: {  	p0 =	sne.s32 s0, s26  }
.Ltmp1:
0x1ea: {  	_ = 	snop;
	(pc) =	sbr.rel @p0 .LBB2_1-.Ltmp1, $4  }
0x1eb: {  	s28 =	simm.s32 $0x4800;
	s31 =	simm.s32 $0x8000  }
0x1ec: {  	s29 =	simm.s32 $0x7800;
	s7 =	simm.s32 $0x7000;
	s15 =	simm.s32 $0x3000  }
0x1ed: {  	s16 =	simm.s32 $0x4000;
	s25 =	simm.s32 $0x2800;
	[sflag:s24] =	ssyncset.done $0x0  }
0x1ee: {  	s20 =	simm.s32 $0x3800;
	[sflag:s24] =	ssyncadd.s32 $0xFFFFC000;
	s26 =	simm.s32 $0x5800  }
0x1ef: {  	_ =	sfence.sel $0x180000  }
0x1f0: {  	[bflag:$0x0] =	sbarrier.arrive $0xFFFF  }
0x1f1: {  	_ =	strace $0x90000047  }
0x1f2: {  	s0 =	stileid.u32;
	[bflag:$0x2] =	sbarrier.arrive $0xFFFF  }
0x1f3: {  	p0 =	sne.s32 s0, $0x0;
	s0 =	rddreg [dreg:$0x3]  }
0x1f4: {  	s0 =	sadd.s32 @!p0 $0x100000, s0  }
0x1f5: {  	[sflag:s0] =	ssyncadd.tile.s32 @!p0 $0x1;
	_ =	shalt  }
.Lfunc_end2:
_tile_overlayer_lowered:
.L_overlay_start_2:
0x1f6: {  	(tag) =	ssettag $0x2  }
0x1f7: {  	s0 =	rddreg [dreg:$0x0];
	s2 =	stileid.u32  }
0x1f8: {  	s1 =	rddreg [dreg:$0x1];
	p0 =	sne.s32 s2, $0x0  }
0x1f9: {  	s3 =	rddreg [dreg:$0x2];
	[bflag:$0x3] =	sbarrier.arrive $0xFFFF;
	s2 =	simm.s32 @!p0 $0x1C0D  }
0x1fa: {  	[timem:s3], [sflag:s2] =	dma.local @!p0 [hbm:s0], s1  }
0x1fb: {  	s0 =	simm.s32 @!p0 $0xD  }
0x1fc: {  	_ =	swait.ge @!p0 [sflag:s0], s1  }
0x1fd: {  	s1 =	ssub.s32 @!p0 $0x0, s1;
	[sflag:s0] =	ssyncset.done @!p0 $0x0  }
0x1fe: {  	[sflag:s0] =	ssyncadd.s32 @!p0 s1  }
0x1ff: {  	[bflag:$0x3] =	sbarrier.arrive $0xFFFF  }
0x200: {  	_ =	shalt  }

</sc_bundles>
